<compile_context>
chip_gen: v7x
topology: tpu7x:2x2x1
jax: 0.10.2.dev20260603
libtpu: 0.0.44.dev20260713+nightly
codegen_flags: <defaults>
</compile_context>

<pallas_src>
import functools

import jax
import jax.numpy as jnp
from jax import lax
from jax.experimental import pallas as pl
from jax.experimental.pallas import tpu as pltpu
from jax.experimental.pallas import tpu_sc as plsc


def _half_argmin(pdh, base):
    br, hk = pdh.shape
    lanes = 128
    nt = hk // lanes
    minv = pdh[:, :lanes]
    mint = jnp.zeros((br, lanes), jnp.int32)
    for t in range(1, nt):
        v = pdh[:, t * lanes:(t + 1) * lanes]
        win = v < minv
        minv = jnp.where(win, v, minv)
        mint = jnp.where(win, jnp.int32(t), mint)
    lane = lax.broadcasted_iota(jnp.int32, (br, lanes), 1) + base
    mini = mint * lanes + lane
    m = jnp.min(minv, axis=1, keepdims=True)
    idx = jnp.min(jnp.where(minv == m, mini, jnp.int32(2 ** 30)), axis=1)
    return m[:, 0], idx


def _argmin_body(x_ref, wt2_ref, a2_ref, b2_ref, idx_ref):
    x = x_ref[...].astype(jnp.float32)
    mm2 = jnp.dot(x, wt2_ref[...], preferred_element_type=jnp.float32)
    d2 = (a2_ref[...] + b2_ref[...]) + mm2
    pd = d2 * lax.rsqrt(d2)
    k = pd.shape[1]
    h = k // 2
    v0, i0 = _half_argmin(pd[:, :h], 0)
    v1, i1 = _half_argmin(pd[:, h:], h)
    acc0 = v0.astype(jnp.bfloat16).astype(jnp.float32)
    idx_ref[...] = jnp.where(v1 < acc0, i1, i0)


def _nearest_code(flat16, weight, a2, b2, block_rows):
    n, d = flat16.shape
    k = weight.shape[0]
    wt2 = -2.0 * weight.T
    return pl.pallas_call(
        _argmin_body,
        grid=(n // block_rows,),
        in_specs=[
            pl.BlockSpec((block_rows, d), lambda i: (i, 0)),
            pl.BlockSpec((d, k), lambda i: (0, 0)),
            pl.BlockSpec((block_rows, 1), lambda i: (i, 0)),
            pl.BlockSpec((1, k), lambda i: (0, 0)),
        ],
        out_specs=pl.BlockSpec((block_rows,), lambda i: (i,)),
        out_shape=jax.ShapeDtypeStruct((n,), jnp.int32),
    )(flat16, wt2, a2, b2)


_GATHER_PAD = 128


def _make_gather_st(n, d, k):
    info = plsc.get_sparse_core_info()
    nw = info.num_cores * info.num_subcores
    bpw = n // nw
    mesh = plsc.VectorSubcoreMesh(core_axis_name="c", subcore_axis_name="s")

    ch = 128
    nch = bpw // ch
    scratch = [
        pltpu.VMEM((bpw,), jnp.int32),
        pltpu.VMEM((ch, _GATHER_PAD), jnp.float32),
        pltpu.VMEM((ch, _GATHER_PAD), jnp.float32),
        pltpu.VMEM((bpw * d,), jnp.float32),
        pltpu.VMEM((bpw * d,), jnp.float32),
        pltpu.VMEM((bpw * d,), jnp.float32),
        pltpu.SemaphoreType.DMA,
        pltpu.SemaphoreType.DMA,
    ]

    @functools.partial(pl.kernel, mesh=mesh, out_type=(
        jax.ShapeDtypeStruct((n * d,), jnp.float32),
        jax.ShapeDtypeStruct((n * d,), jnp.float32),
    ), scratch_types=scratch)
    def gather_st(w_hbm, idx_hbm, ze_hbm, zq_out, st_out, idx_v, zqp0, zqp1,
                  zqc_v, ze_v, st_v, sem0, sem1):
        wid = lax.axis_index("s") * info.num_cores + lax.axis_index("c")
        base = wid * bpw
        pltpu.sync_copy(idx_hbm.at[pl.ds(base, bpw)], idx_v)
        bufs, sems, cps = (zqp0, zqp1), (sem0, sem1), [None, None]
        cps[0] = pltpu.async_copy(
            w_hbm.at[idx_v.at[pl.ds(0, ch)]], bufs[0], sems[0])
        pltpu.sync_copy(ze_hbm.at[pl.ds(base * d, bpw * d)], ze_v)
        for ci in range(nch):
            if ci + 1 < nch:
                nb = (ci + 1) % 2
                cps[nb] = pltpu.async_copy(
                    w_hbm.at[idx_v.at[pl.ds((ci + 1) * ch, ch)]],
                    bufs[nb], sems[nb])
            cb = ci % 2
            cps[cb].wait()
            zqp = bufs[cb]
            off = ci * ch

            def body(i, carry):
                for cc in range(d // 16):
                    fsl = pl.ds((off + i) * d + cc * 16, 16)
                    zq = zqp[i, pl.ds(cc * 16, 16)]
                    ze = ze_v[fsl]
                    zqc_v[fsl] = zq
                    st_v[fsl] = ze + (zq - ze)
                return carry

            lax.fori_loop(0, ch, body, 0)
        pltpu.sync_copy(zqc_v, zq_out.at[pl.ds(base * d, bpw * d)])
        pltpu.sync_copy(st_v, st_out.at[pl.ds(base * d, bpw * d)])

    return gather_st


def kernel(z_e, weight):
    b, v, c = z_e.shape
    k = weight.shape[0]
    flat = z_e.reshape(-1, c)
    n = flat.shape[0]
    a2 = jnp.sum(flat * flat, axis=1, keepdims=True)
    b2 = jnp.sum(weight * weight, axis=1)[None, :]
    flat16 = flat.astype(jnp.bfloat16)
    idx = _nearest_code(flat16, weight, a2, b2, block_rows=1024)
    w_pad = jnp.pad(weight, ((0, 0), (0, _GATHER_PAD - c)))
    zq_flat, st_flat = _make_gather_st(n, c, k)(
        w_pad, idx, flat.reshape(-1))
    return (st_flat.reshape(z_e.shape), zq_flat.reshape(z_e.shape),
            idx.reshape(b, v))

# --- scband reference (transcript-rebuilt; emitter-appended) ---
"""Pipeline reference for scband-vector-quant-straight-through-7679401525803 (READ-ONLY COPY).

The authoritative reference and input builder live on the scoring server;
editing this copy changes nothing except your own understanding.
"""

import jax, jax.numpy as jnp
import numpy as np

K = 8192
D = 32


def setup_inputs(seed: int = 0) -> dict:
    key = jax.random.key(seed)
    k1, k2 = jax.random.split(key)
    z_e = jax.random.normal(k1, (16, 1024, 32), dtype=jnp.float32)
    weight = jax.random.uniform(k2, (K, D), minval=-1.0 / K, maxval=1.0 / K, dtype=jnp.float32)
    return {"z_e": z_e, "weight": weight}


def reference(z_e, weight):
    B, V, C = z_e.shape
    flat = z_e.reshape(-1, C)
    # torch.cdist (euclidean, p=2) via the expanded form ||a||^2 + ||b||^2 - 2 a.b
    a2 = jnp.sum(flat * flat, axis=1, keepdims=True)
    b2 = jnp.sum(weight * weight, axis=1)[None, :]
    d2 = a2 + b2 - 2.0 * (flat @ weight.T)
    pairwise_distances = jnp.sqrt(jnp.maximum(d2, 0.0))
    indices = jnp.argmin(pairwise_distances, axis=1)
    z_q = jnp.take(weight, indices, axis=0)
    z_q = z_q.reshape(z_e.shape)
    z_q_st = z_e + jax.lax.stop_gradient(z_q - z_e)
    return (z_q_st, z_q, indices.reshape(-1, V))

if __name__ == "__main__":
    import jax
    _d = setup_inputs()
    print(jax.jit(kernel)(*tuple(_d.values())))

</pallas_src>

<mosaic_0001>
#map = affine_map<(d0, d1) -> (0, 0)>
#map1 = affine_map<(d0, d1) -> (0)>
module attributes {stable_mosaic.version = 14 : i64} {
  func.func @gather_st(%arg0: i32, %arg1: i32, %arg2: memref<8192x128xf32, #tpu.memory_space<hbm>>, %arg3: memref<16384xi32, #tpu.memory_space<hbm>>, %arg4: memref<524288xf32, #tpu.memory_space<hbm>>, %arg5: memref<524288xf32, #tpu.memory_space<hbm>>, %arg6: memref<524288xf32, #tpu.memory_space<hbm>>, %arg7: memref<512xi32, #tpu.memory_space<vmem>>, %arg8: memref<128x128xf32, #tpu.memory_space<vmem>>, %arg9: memref<128x128xf32, #tpu.memory_space<vmem>>, %arg10: memref<16384xf32, #tpu.memory_space<vmem>>, %arg11: memref<16384xf32, #tpu.memory_space<vmem>>, %arg12: memref<16384xf32, #tpu.memory_space<vmem>>, %arg13: memref<!tpu.dma_semaphore, #tpu.memory_space<semaphore_mem>>, %arg14: memref<!tpu.dma_semaphore, #tpu.memory_space<semaphore_mem>>) attributes {dimension_semantics = [#tpu.dimension_semantics<core_parallel>, #tpu.dimension_semantics<subcore_parallel>], iteration_bounds = array<i64: 2, 16>, scalar_prefetch = 0 : i64, scratch_operands = 8 : i64, tpu.core_type = #tpu.core_type<sc_vector_subcore>, window_params = [{transform_indices = #map}, {transform_indices = #map1}, {transform_indices = #map1}, {transform_indices = #map1}, {transform_indices = #map1}]} {
    %mul3A = arith.constant 2 : i32
    %mul3A_0 = arith.muli %arg1, %mul3A : i32
    %add3A = arith.addi %mul3A_0, %arg0 : i32
    %mul3A_1 = arith.constant 512 : i32
    %mul3A_2 = arith.muli %add3A, %mul3A_1 : i32
    "tpu.region"() ({
      %run_scoped3A = tpu.sem_alloc : memref<!tpu.dma_semaphore, #tpu.memory_space<semaphore_mem>>
      %dma_start3A_70 = tpu.memref_slice %arg3[%mul3A_2] : memref<16384xi32, #tpu.memory_space<hbm>> -> memref<512xi32, #tpu.memory_space<hbm>>
      %dma_start3A_71 = tpu.memref_slice %arg3[%mul3A_2] : memref<16384xi32, #tpu.memory_space<hbm>> -> memref<512xi32, #tpu.memory_space<hbm>>
      tpu.enqueue_dma source(%dma_start3A_71 : memref<512xi32, #tpu.memory_space<hbm>>) target(%arg7 : memref<512xi32, #tpu.memory_space<vmem>>) target_semaphore(%run_scoped3A : memref<!tpu.dma_semaphore, #tpu.memory_space<semaphore_mem>>)
      %dma_wait3A_72 = tpu.memref_slice %arg3[%mul3A_2] : memref<16384xi32, #tpu.memory_space<hbm>> -> memref<512xi32, #tpu.memory_space<hbm>>
      %dma_wait3A_73 = tpu.memref_slice %arg3[%mul3A_2] : memref<16384xi32, #tpu.memory_space<hbm>> -> memref<512xi32, #tpu.memory_space<hbm>>
      tpu.wait_dma2 semaphore(%run_scoped3A : memref<!tpu.dma_semaphore, #tpu.memory_space<semaphore_mem>>) src(%dma_wait3A_73 : memref<512xi32, #tpu.memory_space<hbm>>) dst(%arg7 : memref<512xi32, #tpu.memory_space<vmem>>)
      tpu.yield
    }) : () -> ()
    %dma_start3A = arith.constant 0 : i32
    %dma_start3A_3 = tpu.memref_slice %arg7[%dma_start3A] : memref<512xi32, #tpu.memory_space<vmem>> -> memref<128xi32, #tpu.memory_space<vmem>>
    %dma_start3A_4 = arith.constant 0 : i32
    %dma_start3A_5 = arith.constant 0 : i32
    %dma_start3A_6 = tpu.memref_slice %arg2[%dma_start3A_4, %dma_start3A_5] : memref<8192x128xf32, #tpu.memory_space<hbm>> -> memref<8192x128xf32, #tpu.memory_space<hbm>>
    tpu.enqueue_indirect_dma source(%dma_start3A_6 : memref<8192x128xf32, #tpu.memory_space<hbm>>) target(%arg8 : memref<128x128xf32, #tpu.memory_space<vmem>>) offsets(%dma_start3A_3 : memref<128xi32, #tpu.memory_space<vmem>>) semaphore(%arg13 : memref<!tpu.dma_semaphore, #tpu.memory_space<semaphore_mem>>)
    %mul3A_7 = arith.constant 32 : i32
    %mul3A_8 = arith.muli %mul3A_2, %mul3A_7 : i32
    "tpu.region"() ({
      %run_scoped3A = tpu.sem_alloc : memref<!tpu.dma_semaphore, #tpu.memory_space<semaphore_mem>>
      %dma_start3A_70 = tpu.memref_slice %arg4[%mul3A_8] : memref<524288xf32, #tpu.memory_space<hbm>> -> memref<16384xf32, #tpu.memory_space<hbm>>
      %dma_start3A_71 = tpu.memref_slice %arg4[%mul3A_8] : memref<524288xf32, #tpu.memory_space<hbm>> -> memref<16384xf32, #tpu.memory_space<hbm>>
      tpu.enqueue_dma source(%dma_start3A_71 : memref<16384xf32, #tpu.memory_space<hbm>>) target(%arg11 : memref<16384xf32, #tpu.memory_space<vmem>>) target_semaphore(%run_scoped3A : memref<!tpu.dma_semaphore, #tpu.memory_space<semaphore_mem>>)
      %dma_wait3A_72 = tpu.memref_slice %arg4[%mul3A_8] : memref<524288xf32, #tpu.memory_space<hbm>> -> memref<16384xf32, #tpu.memory_space<hbm>>
      %dma_wait3A_73 = tpu.memref_slice %arg4[%mul3A_8] : memref<524288xf32, #tpu.memory_space<hbm>> -> memref<16384xf32, #tpu.memory_space<hbm>>
      tpu.wait_dma2 semaphore(%run_scoped3A : memref<!tpu.dma_semaphore, #tpu.memory_space<semaphore_mem>>) src(%dma_wait3A_73 : memref<16384xf32, #tpu.memory_space<hbm>>) dst(%arg11 : memref<16384xf32, #tpu.memory_space<vmem>>)
      tpu.yield
    }) : () -> ()
    %dma_start3A_9 = arith.constant 128 : i32
    %dma_start3A_10 = tpu.memref_slice %arg7[%dma_start3A_9] : memref<512xi32, #tpu.memory_space<vmem>> -> memref<128xi32, #tpu.memory_space<vmem>>
    %dma_start3A_11 = arith.constant 0 : i32
    %dma_start3A_12 = arith.constant 0 : i32
    %dma_start3A_13 = tpu.memref_slice %arg2[%dma_start3A_11, %dma_start3A_12] : memref<8192x128xf32, #tpu.memory_space<hbm>> -> memref<8192x128xf32, #tpu.memory_space<hbm>>
    tpu.enqueue_indirect_dma source(%dma_start3A_13 : memref<8192x128xf32, #tpu.memory_space<hbm>>) target(%arg9 : memref<128x128xf32, #tpu.memory_space<vmem>>) offsets(%dma_start3A_10 : memref<128xi32, #tpu.memory_space<vmem>>) semaphore(%arg14 : memref<!tpu.dma_semaphore, #tpu.memory_space<semaphore_mem>>)
    %dma_wait3A = arith.constant 0 : i32
    %dma_wait3A_14 = tpu.memref_slice %arg7[%dma_wait3A] : memref<512xi32, #tpu.memory_space<vmem>> -> memref<128xi32, #tpu.memory_space<vmem>>
    %dma_wait3A_15 = arith.constant 0 : i32
    %dma_wait3A_16 = arith.constant 0 : i32
    %dma_wait3A_17 = tpu.memref_slice %arg2[%dma_wait3A_15, %dma_wait3A_16] : memref<8192x128xf32, #tpu.memory_space<hbm>> -> memref<8192x128xf32, #tpu.memory_space<hbm>>
    tpu.wait_indirect_dma semaphore(%arg13 : memref<!tpu.dma_semaphore, #tpu.memory_space<semaphore_mem>>) src(%dma_wait3A_17 : memref<8192x128xf32, #tpu.memory_space<hbm>>) dst(%arg8 : memref<128x128xf32, #tpu.memory_space<vmem>>)
    %scan3A = arith.constant 0 : i32
    %scan3A_18 = arith.constant 0 : i32
    %scan3A_19 = arith.constant 128 : i32
    %scan3A_20 = arith.addi %scan3A_18, %scan3A_19 : i32
    %scan3A_21 = arith.constant 1 : i32
    scf.for %scan3A_70 = %scan3A_18 to %scan3A_20 step %scan3A_21  : i32 {
      %add3A_71 = arith.constant 0 : i32
      %add3A_72 = arith.addi %add3A_71, %scan3A_70 : i32
      %mul3A_73 = arith.constant 32 : i32
      %mul3A_74 = arith.muli %add3A_72, %mul3A_73 : i32
      %add3A_75 = arith.constant 0 : i32
      %add3A_76 = arith.addi %mul3A_74, %add3A_75 : i32
      %get3A = arith.index_cast %scan3A_70 : i32 to index
      %get3A_77 = arith.constant 0 : index
      %get3A_78 = tpu.vector_load %arg8[%get3A, %get3A_77] {strides = array<i32>} : memref<128x128xf32, #tpu.memory_space<vmem>>, vector<1x16xf32>,
      %get3A_79 = vector.shape_cast %get3A_78 : vector<1x16xf32> to vector<16xf32>
      %get3A_80 = arith.index_cast %add3A_76 : i32 to index
      %get3A_81 = tpu.vector_load %arg11[%get3A_80] {strides = array<i32>} : memref<16384xf32, #tpu.memory_space<vmem>>, vector<16xf32>,
      %get3A_82 = vector.shape_cast %get3A_81 : vector<16xf32> to vector<16xf32>
      %swap3A = arith.index_cast %add3A_76 : i32 to index
      %swap3A_83 = tpu.vector_load %arg10[%swap3A] {strides = array<i32>} : memref<16384xf32, #tpu.memory_space<vmem>>, vector<16xf32>,
      %swap3A_84 = vector.shape_cast %swap3A_83 : vector<16xf32> to vector<16xf32>
      %swap3A_85 = vector.shape_cast %get3A_79 : vector<16xf32> to vector<16xf32>
      tpu.vector_store %arg10[%swap3A], %swap3A_85 {strides = array<i32>} : memref<16384xf32, #tpu.memory_space<vmem>>, vector<16xf32>,
      %sub3A = arith.subf %get3A_79, %get3A_82 : vector<16xf32>
      %add3A_86 = arith.addf %get3A_82, %sub3A : vector<16xf32>
      %swap3A_87 = arith.index_cast %add3A_76 : i32 to index
      %swap3A_88 = tpu.vector_load %arg12[%swap3A_87] {strides = array<i32>} : memref<16384xf32, #tpu.memory_space<vmem>>, vector<16xf32>,
      %swap3A_89 = vector.shape_cast %swap3A_88 : vector<16xf32> to vector<16xf32>
      %swap3A_90 = vector.shape_cast %add3A_86 : vector<16xf32> to vector<16xf32>
      tpu.vector_store %arg12[%swap3A_87], %swap3A_90 {strides = array<i32>} : memref<16384xf32, #tpu.memory_space<vmem>>, vector<16xf32>,
      %add3A_91 = arith.constant 0 : i32
      %add3A_92 = arith.addi %add3A_91, %scan3A_70 : i32
      %mul3A_93 = arith.constant 32 : i32
      %mul3A_94 = arith.muli %add3A_92, %mul3A_93 : i32
      %add3A_95 = arith.constant 16 : i32
      %add3A_96 = arith.addi %mul3A_94, %add3A_95 : i32
      %get3A_97 = arith.index_cast %scan3A_70 : i32 to index
      %get3A_98 = arith.constant 16 : index
      %get3A_99 = tpu.vector_load %arg8[%get3A_97, %get3A_98] {strides = array<i32>} : memref<128x128xf32, #tpu.memory_space<vmem>>, vector<1x16xf32>,
      %get3A_100 = vector.shape_cast %get3A_99 : vector<1x16xf32> to vector<16xf32>
      %get3A_101 = arith.index_cast %add3A_96 : i32 to index
      %get3A_102 = tpu.vector_load %arg11[%get3A_101] {strides = array<i32>} : memref<16384xf32, #tpu.memory_space<vmem>>, vector<16xf32>,
      %get3A_103 = vector.shape_cast %get3A_102 : vector<16xf32> to vector<16xf32>
      %swap3A_104 = arith.index_cast %add3A_96 : i32 to index
      %swap3A_105 = tpu.vector_load %arg10[%swap3A_104] {strides = array<i32>} : memref<16384xf32, #tpu.memory_space<vmem>>, vector<16xf32>,
      %swap3A_106 = vector.shape_cast %swap3A_105 : vector<16xf32> to vector<16xf32>
      %swap3A_107 = vector.shape_cast %get3A_100 : vector<16xf32> to vector<16xf32>
      tpu.vector_store %arg10[%swap3A_104], %swap3A_107 {strides = array<i32>} : memref<16384xf32, #tpu.memory_space<vmem>>, vector<16xf32>,
      %sub3A_108 = arith.subf %get3A_100, %get3A_103 : vector<16xf32>
      %add3A_109 = arith.addf %get3A_103, %sub3A_108 : vector<16xf32>
      %swap3A_110 = arith.index_cast %add3A_96 : i32 to index
      %swap3A_111 = tpu.vector_load %arg12[%swap3A_110] {strides = array<i32>} : memref<16384xf32, #tpu.memory_space<vmem>>, vector<16xf32>,
      %swap3A_112 = vector.shape_cast %swap3A_111 : vector<16xf32> to vector<16xf32>
      %swap3A_113 = vector.shape_cast %add3A_109 : vector<16xf32> to vector<16xf32>
      tpu.vector_store %arg12[%swap3A_110], %swap3A_113 {strides = array<i32>} : memref<16384xf32, #tpu.memory_space<vmem>>, vector<16xf32>,
    }
    %scan3A_22 = arith.constant 128 : i32
    %dma_start3A_23 = arith.constant 256 : i32
    %dma_start3A_24 = tpu.memref_slice %arg7[%dma_start3A_23] : memref<512xi32, #tpu.memory_space<vmem>> -> memref<128xi32, #tpu.memory_space<vmem>>
    %dma_start3A_25 = arith.constant 0 : i32
    %dma_start3A_26 = arith.constant 0 : i32
    %dma_start3A_27 = tpu.memref_slice %arg2[%dma_start3A_25, %dma_start3A_26] : memref<8192x128xf32, #tpu.memory_space<hbm>> -> memref<8192x128xf32, #tpu.memory_space<hbm>>
    tpu.enqueue_indirect_dma source(%dma_start3A_27 : memref<8192x128xf32, #tpu.memory_space<hbm>>) target(%arg8 : memref<128x128xf32, #tpu.memory_space<vmem>>) offsets(%dma_start3A_24 : memref<128xi32, #tpu.memory_space<vmem>>) semaphore(%arg13 : memref<!tpu.dma_semaphore, #tpu.memory_space<semaphore_mem>>)
    %dma_wait3A_28 = arith.constant 128 : i32
    %dma_wait3A_29 = tpu.memref_slice %arg7[%dma_wait3A_28] : memref<512xi32, #tpu.memory_space<vmem>> -> memref<128xi32, #tpu.memory_space<vmem>>
    %dma_wait3A_30 = arith.constant 0 : i32
    %dma_wait3A_31 = arith.constant 0 : i32
    %dma_wait3A_32 = tpu.memref_slice %arg2[%dma_wait3A_30, %dma_wait3A_31] : memref<8192x128xf32, #tpu.memory_space<hbm>> -> memref<8192x128xf32, #tpu.memory_space<hbm>>
    tpu.wait_indirect_dma semaphore(%arg14 : memref<!tpu.dma_semaphore, #tpu.memory_space<semaphore_mem>>) src(%dma_wait3A_32 : memref<8192x128xf32, #tpu.memory_space<hbm>>) dst(%arg9 : memref<128x128xf32, #tpu.memory_space<vmem>>)
    %scan3A_33 = arith.constant 0 : i32
    %scan3A_34 = arith.constant 0 : i32
    %scan3A_35 = arith.constant 128 : i32
    %scan3A_36 = arith.addi %scan3A_34, %scan3A_35 : i32
    %scan3A_37 = arith.constant 1 : i32
    scf.for %scan3A_70 = %scan3A_34 to %scan3A_36 step %scan3A_37  : i32 {
      %add3A_71 = arith.constant 128 : i32
      %add3A_72 = arith.addi %add3A_71, %scan3A_70 : i32
      %mul3A_73 = arith.constant 32 : i32
      %mul3A_74 = arith.muli %add3A_72, %mul3A_73 : i32
      %add3A_75 = arith.constant 0 : i32
      %add3A_76 = arith.addi %mul3A_74, %add3A_75 : i32
      %get3A = arith.index_cast %scan3A_70 : i32 to index
      %get3A_77 = arith.constant 0 : index
      %get3A_78 = tpu.vector_load %arg9[%get3A, %get3A_77] {strides = array<i32>} : memref<128x128xf32, #tpu.memory_space<vmem>>, vector<1x16xf32>,
      %get3A_79 = vector.shape_cast %get3A_78 : vector<1x16xf32> to vector<16xf32>
      %get3A_80 = arith.index_cast %add3A_76 : i32 to index
      %get3A_81 = tpu.vector_load %arg11[%get3A_80] {strides = array<i32>} : memref<16384xf32, #tpu.memory_space<vmem>>, vector<16xf32>,
      %get3A_82 = vector.shape_cast %get3A_81 : vector<16xf32> to vector<16xf32>
      %swap3A = arith.index_cast %add3A_76 : i32 to index
      %swap3A_83 = tpu.vector_load %arg10[%swap3A] {strides = array<i32>} : memref<16384xf32, #tpu.memory_space<vmem>>, vector<16xf32>,
      %swap3A_84 = vector.shape_cast %swap3A_83 : vector<16xf32> to vector<16xf32>
      %swap3A_85 = vector.shape_cast %get3A_79 : vector<16xf32> to vector<16xf32>
      tpu.vector_store %arg10[%swap3A], %swap3A_85 {strides = array<i32>} : memref<16384xf32, #tpu.memory_space<vmem>>, vector<16xf32>,
      %sub3A = arith.subf %get3A_79, %get3A_82 : vector<16xf32>
      %add3A_86 = arith.addf %get3A_82, %sub3A : vector<16xf32>
      %swap3A_87 = arith.index_cast %add3A_76 : i32 to index
      %swap3A_88 = tpu.vector_load %arg12[%swap3A_87] {strides = array<i32>} : memref<16384xf32, #tpu.memory_space<vmem>>, vector<16xf32>,
      %swap3A_89 = vector.shape_cast %swap3A_88 : vector<16xf32> to vector<16xf32>
      %swap3A_90 = vector.shape_cast %add3A_86 : vector<16xf32> to vector<16xf32>
      tpu.vector_store %arg12[%swap3A_87], %swap3A_90 {strides = array<i32>} : memref<16384xf32, #tpu.memory_space<vmem>>, vector<16xf32>,
      %add3A_91 = arith.constant 128 : i32
      %add3A_92 = arith.addi %add3A_91, %scan3A_70 : i32
      %mul3A_93 = arith.constant 32 : i32
      %mul3A_94 = arith.muli %add3A_92, %mul3A_93 : i32
      %add3A_95 = arith.constant 16 : i32
      %add3A_96 = arith.addi %mul3A_94, %add3A_95 : i32
      %get3A_97 = arith.index_cast %scan3A_70 : i32 to index
      %get3A_98 = arith.constant 16 : index
      %get3A_99 = tpu.vector_load %arg9[%get3A_97, %get3A_98] {strides = array<i32>} : memref<128x128xf32, #tpu.memory_space<vmem>>, vector<1x16xf32>,
      %get3A_100 = vector.shape_cast %get3A_99 : vector<1x16xf32> to vector<16xf32>
      %get3A_101 = arith.index_cast %add3A_96 : i32 to index
      %get3A_102 = tpu.vector_load %arg11[%get3A_101] {strides = array<i32>} : memref<16384xf32, #tpu.memory_space<vmem>>, vector<16xf32>,
      %get3A_103 = vector.shape_cast %get3A_102 : vector<16xf32> to vector<16xf32>
      %swap3A_104 = arith.index_cast %add3A_96 : i32 to index
      %swap3A_105 = tpu.vector_load %arg10[%swap3A_104] {strides = array<i32>} : memref<16384xf32, #tpu.memory_space<vmem>>, vector<16xf32>,
      %swap3A_106 = vector.shape_cast %swap3A_105 : vector<16xf32> to vector<16xf32>
      %swap3A_107 = vector.shape_cast %get3A_100 : vector<16xf32> to vector<16xf32>
      tpu.vector_store %arg10[%swap3A_104], %swap3A_107 {strides = array<i32>} : memref<16384xf32, #tpu.memory_space<vmem>>, vector<16xf32>,
      %sub3A_108 = arith.subf %get3A_100, %get3A_103 : vector<16xf32>
      %add3A_109 = arith.addf %get3A_103, %sub3A_108 : vector<16xf32>
      %swap3A_110 = arith.index_cast %add3A_96 : i32 to index
      %swap3A_111 = tpu.vector_load %arg12[%swap3A_110] {strides = array<i32>} : memref<16384xf32, #tpu.memory_space<vmem>>, vector<16xf32>,
      %swap3A_112 = vector.shape_cast %swap3A_111 : vector<16xf32> to vector<16xf32>
      %swap3A_113 = vector.shape_cast %add3A_109 : vector<16xf32> to vector<16xf32>
      tpu.vector_store %arg12[%swap3A_110], %swap3A_113 {strides = array<i32>} : memref<16384xf32, #tpu.memory_space<vmem>>, vector<16xf32>,
    }
    %scan3A_38 = arith.constant 128 : i32
    %dma_start3A_39 = arith.constant 384 : i32
    %dma_start3A_40 = tpu.memref_slice %arg7[%dma_start3A_39] : memref<512xi32, #tpu.memory_space<vmem>> -> memref<128xi32, #tpu.memory_space<vmem>>
    %dma_start3A_41 = arith.constant 0 : i32
    %dma_start3A_42 = arith.constant 0 : i32
    %dma_start3A_43 = tpu.memref_slice %arg2[%dma_start3A_41, %dma_start3A_42] : memref<8192x128xf32, #tpu.memory_space<hbm>> -> memref<8192x128xf32, #tpu.memory_space<hbm>>
    tpu.enqueue_indirect_dma source(%dma_start3A_43 : memref<8192x128xf32, #tpu.memory_space<hbm>>) target(%arg9 : memref<128x128xf32, #tpu.memory_space<vmem>>) offsets(%dma_start3A_40 : memref<128xi32, #tpu.memory_space<vmem>>) semaphore(%arg14 : memref<!tpu.dma_semaphore, #tpu.memory_space<semaphore_mem>>)
    %dma_wait3A_44 = arith.constant 256 : i32
    %dma_wait3A_45 = tpu.memref_slice %arg7[%dma_wait3A_44] : memref<512xi32, #tpu.memory_space<vmem>> -> memref<128xi32, #tpu.memory_space<vmem>>
    %dma_wait3A_46 = arith.constant 0 : i32
    %dma_wait3A_47 = arith.constant 0 : i32
    %dma_wait3A_48 = tpu.memref_slice %arg2[%dma_wait3A_46, %dma_wait3A_47] : memref<8192x128xf32, #tpu.memory_space<hbm>> -> memref<8192x128xf32, #tpu.memory_space<hbm>>
    tpu.wait_indirect_dma semaphore(%arg13 : memref<!tpu.dma_semaphore, #tpu.memory_space<semaphore_mem>>) src(%dma_wait3A_48 : memref<8192x128xf32, #tpu.memory_space<hbm>>) dst(%arg8 : memref<128x128xf32, #tpu.memory_space<vmem>>)
    %scan3A_49 = arith.constant 0 : i32
    %scan3A_50 = arith.constant 0 : i32
    %scan3A_51 = arith.constant 128 : i32
    %scan3A_52 = arith.addi %scan3A_50, %scan3A_51 : i32
    %scan3A_53 = arith.constant 1 : i32
    scf.for %scan3A_70 = %scan3A_50 to %scan3A_52 step %scan3A_53  : i32 {
      %add3A_71 = arith.constant 256 : i32
      %add3A_72 = arith.addi %add3A_71, %scan3A_70 : i32
      %mul3A_73 = arith.constant 32 : i32
      %mul3A_74 = arith.muli %add3A_72, %mul3A_73 : i32
      %add3A_75 = arith.constant 0 : i32
      %add3A_76 = arith.addi %mul3A_74, %add3A_75 : i32
      %get3A = arith.index_cast %scan3A_70 : i32 to index
      %get3A_77 = arith.constant 0 : index
      %get3A_78 = tpu.vector_load %arg8[%get3A, %get3A_77] {strides = array<i32>} : memref<128x128xf32, #tpu.memory_space<vmem>>, vector<1x16xf32>,
      %get3A_79 = vector.shape_cast %get3A_78 : vector<1x16xf32> to vector<16xf32>
      %get3A_80 = arith.index_cast %add3A_76 : i32 to index
      %get3A_81 = tpu.vector_load %arg11[%get3A_80] {strides = array<i32>} : memref<16384xf32, #tpu.memory_space<vmem>>, vector<16xf32>,
      %get3A_82 = vector.shape_cast %get3A_81 : vector<16xf32> to vector<16xf32>
      %swap3A = arith.index_cast %add3A_76 : i32 to index
      %swap3A_83 = tpu.vector_load %arg10[%swap3A] {strides = array<i32>} : memref<16384xf32, #tpu.memory_space<vmem>>, vector<16xf32>,
      %swap3A_84 = vector.shape_cast %swap3A_83 : vector<16xf32> to vector<16xf32>
      %swap3A_85 = vector.shape_cast %get3A_79 : vector<16xf32> to vector<16xf32>
      tpu.vector_store %arg10[%swap3A], %swap3A_85 {strides = array<i32>} : memref<16384xf32, #tpu.memory_space<vmem>>, vector<16xf32>,
      %sub3A = arith.subf %get3A_79, %get3A_82 : vector<16xf32>
      %add3A_86 = arith.addf %get3A_82, %sub3A : vector<16xf32>
      %swap3A_87 = arith.index_cast %add3A_76 : i32 to index
      %swap3A_88 = tpu.vector_load %arg12[%swap3A_87] {strides = array<i32>} : memref<16384xf32, #tpu.memory_space<vmem>>, vector<16xf32>,
      %swap3A_89 = vector.shape_cast %swap3A_88 : vector<16xf32> to vector<16xf32>
      %swap3A_90 = vector.shape_cast %add3A_86 : vector<16xf32> to vector<16xf32>
      tpu.vector_store %arg12[%swap3A_87], %swap3A_90 {strides = array<i32>} : memref<16384xf32, #tpu.memory_space<vmem>>, vector<16xf32>,
      %add3A_91 = arith.constant 256 : i32
      %add3A_92 = arith.addi %add3A_91, %scan3A_70 : i32
      %mul3A_93 = arith.constant 32 : i32
      %mul3A_94 = arith.muli %add3A_92, %mul3A_93 : i32
      %add3A_95 = arith.constant 16 : i32
      %add3A_96 = arith.addi %mul3A_94, %add3A_95 : i32
      %get3A_97 = arith.index_cast %scan3A_70 : i32 to index
      %get3A_98 = arith.constant 16 : index
      %get3A_99 = tpu.vector_load %arg8[%get3A_97, %get3A_98] {strides = array<i32>} : memref<128x128xf32, #tpu.memory_space<vmem>>, vector<1x16xf32>,
      %get3A_100 = vector.shape_cast %get3A_99 : vector<1x16xf32> to vector<16xf32>
      %get3A_101 = arith.index_cast %add3A_96 : i32 to index
      %get3A_102 = tpu.vector_load %arg11[%get3A_101] {strides = array<i32>} : memref<16384xf32, #tpu.memory_space<vmem>>, vector<16xf32>,
      %get3A_103 = vector.shape_cast %get3A_102 : vector<16xf32> to vector<16xf32>
      %swap3A_104 = arith.index_cast %add3A_96 : i32 to index
      %swap3A_105 = tpu.vector_load %arg10[%swap3A_104] {strides = array<i32>} : memref<16384xf32, #tpu.memory_space<vmem>>, vector<16xf32>,
      %swap3A_106 = vector.shape_cast %swap3A_105 : vector<16xf32> to vector<16xf32>
      %swap3A_107 = vector.shape_cast %get3A_100 : vector<16xf32> to vector<16xf32>
      tpu.vector_store %arg10[%swap3A_104], %swap3A_107 {strides = array<i32>} : memref<16384xf32, #tpu.memory_space<vmem>>, vector<16xf32>,
      %sub3A_108 = arith.subf %get3A_100, %get3A_103 : vector<16xf32>
      %add3A_109 = arith.addf %get3A_103, %sub3A_108 : vector<16xf32>
      %swap3A_110 = arith.index_cast %add3A_96 : i32 to index
      %swap3A_111 = tpu.vector_load %arg12[%swap3A_110] {strides = array<i32>} : memref<16384xf32, #tpu.memory_space<vmem>>, vector<16xf32>,
      %swap3A_112 = vector.shape_cast %swap3A_111 : vector<16xf32> to vector<16xf32>
      %swap3A_113 = vector.shape_cast %add3A_109 : vector<16xf32> to vector<16xf32>
      tpu.vector_store %arg12[%swap3A_110], %swap3A_113 {strides = array<i32>} : memref<16384xf32, #tpu.memory_space<vmem>>, vector<16xf32>,
    }
    %scan3A_54 = arith.constant 128 : i32
    %dma_wait3A_55 = arith.constant 384 : i32
    %dma_wait3A_56 = tpu.memref_slice %arg7[%dma_wait3A_55] : memref<512xi32, #tpu.memory_space<vmem>> -> memref<128xi32, #tpu.memory_space<vmem>>
    %dma_wait3A_57 = arith.constant 0 : i32
    %dma_wait3A_58 = arith.constant 0 : i32
    %dma_wait3A_59 = tpu.memref_slice %arg2[%dma_wait3A_57, %dma_wait3A_58] : memref<8192x128xf32, #tpu.memory_space<hbm>> -> memref<8192x128xf32, #tpu.memory_space<hbm>>
    tpu.wait_indirect_dma semaphore(%arg14 : memref<!tpu.dma_semaphore, #tpu.memory_space<semaphore_mem>>) src(%dma_wait3A_59 : memref<8192x128xf32, #tpu.memory_space<hbm>>) dst(%arg9 : memref<128x128xf32, #tpu.memory_space<vmem>>)
    %scan3A_60 = arith.constant 0 : i32
    %scan3A_61 = arith.constant 0 : i32
    %scan3A_62 = arith.constant 128 : i32
    %scan3A_63 = arith.addi %scan3A_61, %scan3A_62 : i32
    %scan3A_64 = arith.constant 1 : i32
    scf.for %scan3A_70 = %scan3A_61 to %scan3A_63 step %scan3A_64  : i32 {
      %add3A_71 = arith.constant 384 : i32
      %add3A_72 = arith.addi %add3A_71, %scan3A_70 : i32
      %mul3A_73 = arith.constant 32 : i32
      %mul3A_74 = arith.muli %add3A_72, %mul3A_73 : i32
      %add3A_75 = arith.constant 0 : i32
      %add3A_76 = arith.addi %mul3A_74, %add3A_75 : i32
      %get3A = arith.index_cast %scan3A_70 : i32 to index
      %get3A_77 = arith.constant 0 : index
      %get3A_78 = tpu.vector_load %arg9[%get3A, %get3A_77] {strides = array<i32>} : memref<128x128xf32, #tpu.memory_space<vmem>>, vector<1x16xf32>,
      %get3A_79 = vector.shape_cast %get3A_78 : vector<1x16xf32> to vector<16xf32>
      %get3A_80 = arith.index_cast %add3A_76 : i32 to index
      %get3A_81 = tpu.vector_load %arg11[%get3A_80] {strides = array<i32>} : memref<16384xf32, #tpu.memory_space<vmem>>, vector<16xf32>,
      %get3A_82 = vector.shape_cast %get3A_81 : vector<16xf32> to vector<16xf32>
      %swap3A = arith.index_cast %add3A_76 : i32 to index
      %swap3A_83 = tpu.vector_load %arg10[%swap3A] {strides = array<i32>} : memref<16384xf32, #tpu.memory_space<vmem>>, vector<16xf32>,
      %swap3A_84 = vector.shape_cast %swap3A_83 : vector<16xf32> to vector<16xf32>
      %swap3A_85 = vector.shape_cast %get3A_79 : vector<16xf32> to vector<16xf32>
      tpu.vector_store %arg10[%swap3A], %swap3A_85 {strides = array<i32>} : memref<16384xf32, #tpu.memory_space<vmem>>, vector<16xf32>,
      %sub3A = arith.subf %get3A_79, %get3A_82 : vector<16xf32>
      %add3A_86 = arith.addf %get3A_82, %sub3A : vector<16xf32>
      %swap3A_87 = arith.index_cast %add3A_76 : i32 to index
      %swap3A_88 = tpu.vector_load %arg12[%swap3A_87] {strides = array<i32>} : memref<16384xf32, #tpu.memory_space<vmem>>, vector<16xf32>,
      %swap3A_89 = vector.shape_cast %swap3A_88 : vector<16xf32> to vector<16xf32>
      %swap3A_90 = vector.shape_cast %add3A_86 : vector<16xf32> to vector<16xf32>
      tpu.vector_store %arg12[%swap3A_87], %swap3A_90 {strides = array<i32>} : memref<16384xf32, #tpu.memory_space<vmem>>, vector<16xf32>,
      %add3A_91 = arith.constant 384 : i32
      %add3A_92 = arith.addi %add3A_91, %scan3A_70 : i32
      %mul3A_93 = arith.constant 32 : i32
      %mul3A_94 = arith.muli %add3A_92, %mul3A_93 : i32
      %add3A_95 = arith.constant 16 : i32
      %add3A_96 = arith.addi %mul3A_94, %add3A_95 : i32
      %get3A_97 = arith.index_cast %scan3A_70 : i32 to index
      %get3A_98 = arith.constant 16 : index
      %get3A_99 = tpu.vector_load %arg9[%get3A_97, %get3A_98] {strides = array<i32>} : memref<128x128xf32, #tpu.memory_space<vmem>>, vector<1x16xf32>,
      %get3A_100 = vector.shape_cast %get3A_99 : vector<1x16xf32> to vector<16xf32>
      %get3A_101 = arith.index_cast %add3A_96 : i32 to index
      %get3A_102 = tpu.vector_load %arg11[%get3A_101] {strides = array<i32>} : memref<16384xf32, #tpu.memory_space<vmem>>, vector<16xf32>,
      %get3A_103 = vector.shape_cast %get3A_102 : vector<16xf32> to vector<16xf32>
      %swap3A_104 = arith.index_cast %add3A_96 : i32 to index
      %swap3A_105 = tpu.vector_load %arg10[%swap3A_104] {strides = array<i32>} : memref<16384xf32, #tpu.memory_space<vmem>>, vector<16xf32>,
      %swap3A_106 = vector.shape_cast %swap3A_105 : vector<16xf32> to vector<16xf32>
      %swap3A_107 = vector.shape_cast %get3A_100 : vector<16xf32> to vector<16xf32>
      tpu.vector_store %arg10[%swap3A_104], %swap3A_107 {strides = array<i32>} : memref<16384xf32, #tpu.memory_space<vmem>>, vector<16xf32>,
      %sub3A_108 = arith.subf %get3A_100, %get3A_103 : vector<16xf32>
      %add3A_109 = arith.addf %get3A_103, %sub3A_108 : vector<16xf32>
      %swap3A_110 = arith.index_cast %add3A_96 : i32 to index
      %swap3A_111 = tpu.vector_load %arg12[%swap3A_110] {strides = array<i32>} : memref<16384xf32, #tpu.memory_space<vmem>>, vector<16xf32>,
      %swap3A_112 = vector.shape_cast %swap3A_111 : vector<16xf32> to vector<16xf32>
      %swap3A_113 = vector.shape_cast %add3A_109 : vector<16xf32> to vector<16xf32>
      tpu.vector_store %arg12[%swap3A_110], %swap3A_113 {strides = array<i32>} : memref<16384xf32, #tpu.memory_space<vmem>>, vector<16xf32>,
    }
    %scan3A_65 = arith.constant 128 : i32
    %mul3A_66 = arith.constant 32 : i32
    %mul3A_67 = arith.muli %mul3A_2, %mul3A_66 : i32
    "tpu.region"() ({
      %run_scoped3A = tpu.sem_alloc : memref<!tpu.dma_semaphore, #tpu.memory_space<semaphore_mem>>
      %dma_start3A_70 = tpu.memref_slice %arg5[%mul3A_67] : memref<524288xf32, #tpu.memory_space<hbm>> -> memref<16384xf32, #tpu.memory_space<hbm>>
      %dma_start3A_71 = tpu.memref_slice %arg5[%mul3A_67] : memref<524288xf32, #tpu.memory_space<hbm>> -> memref<16384xf32, #tpu.memory_space<hbm>>
      tpu.enqueue_dma source(%arg10 : memref<16384xf32, #tpu.memory_space<vmem>>) target(%dma_start3A_71 : memref<16384xf32, #tpu.memory_space<hbm>>) target_semaphore(%run_scoped3A : memref<!tpu.dma_semaphore, #tpu.memory_space<semaphore_mem>>)
      %dma_wait3A_72 = tpu.memref_slice %arg5[%mul3A_67] : memref<524288xf32, #tpu.memory_space<hbm>> -> memref<16384xf32, #tpu.memory_space<hbm>>
      %dma_wait3A_73 = tpu.memref_slice %arg5[%mul3A_67] : memref<524288xf32, #tpu.memory_space<hbm>> -> memref<16384xf32, #tpu.memory_space<hbm>>
      tpu.wait_dma2 semaphore(%run_scoped3A : memref<!tpu.dma_semaphore, #tpu.memory_space<semaphore_mem>>) src(%arg10 : memref<16384xf32, #tpu.memory_space<vmem>>) dst(%dma_wait3A_73 : memref<16384xf32, #tpu.memory_space<hbm>>)
      tpu.yield
    }) : () -> ()
    %mul3A_68 = arith.constant 32 : i32
    %mul3A_69 = arith.muli %mul3A_2, %mul3A_68 : i32
    "tpu.region"() ({
      %run_scoped3A = tpu.sem_alloc : memref<!tpu.dma_semaphore, #tpu.memory_space<semaphore_mem>>
      %dma_start3A_70 = tpu.memref_slice %arg6[%mul3A_69] : memref<524288xf32, #tpu.memory_space<hbm>> -> memref<16384xf32, #tpu.memory_space<hbm>>
      %dma_start3A_71 = tpu.memref_slice %arg6[%mul3A_69] : memref<524288xf32, #tpu.memory_space<hbm>> -> memref<16384xf32, #tpu.memory_space<hbm>>
      tpu.enqueue_dma source(%arg12 : memref<16384xf32, #tpu.memory_space<vmem>>) target(%dma_start3A_71 : memref<16384xf32, #tpu.memory_space<hbm>>) target_semaphore(%run_scoped3A : memref<!tpu.dma_semaphore, #tpu.memory_space<semaphore_mem>>)
      %dma_wait3A_72 = tpu.memref_slice %arg6[%mul3A_69] : memref<524288xf32, #tpu.memory_space<hbm>> -> memref<16384xf32, #tpu.memory_space<hbm>>
      %dma_wait3A_73 = tpu.memref_slice %arg6[%mul3A_69] : memref<524288xf32, #tpu.memory_space<hbm>> -> memref<16384xf32, #tpu.memory_space<hbm>>
      tpu.wait_dma2 semaphore(%run_scoped3A : memref<!tpu.dma_semaphore, #tpu.memory_space<semaphore_mem>>) src(%arg12 : memref<16384xf32, #tpu.memory_space<vmem>>) dst(%dma_wait3A_73 : memref<16384xf32, #tpu.memory_space<hbm>>)
      tpu.yield
    }) : () -> ()
    return
  }
}

module attributes {stable_mosaic.version = 14 : i64} {
  func.func @_argmin_body(%arg0: i32, %arg1: memref<1024x32xbf16, #tpu.memory_space<vmem>>, %arg2: memref<32x8192xf32, #tpu.memory_space<vmem>>, %arg3: memref<1024x1xf32, #tpu.memory_space<vmem>>, %arg4: memref<1x8192xf32, #tpu.memory_space<vmem>>, %arg5: memref<1024xi32, #tpu.memory_space<vmem>>) attributes {dimension_semantics = [#tpu.dimension_semantics<arbitrary>], iteration_bounds = array<i64: 16>, scalar_prefetch = 0 : i64, scratch_operands = 0 : i64, tpu.core_type = #tpu.core_type<tc>, window_params = [{transform_indices = @transform_0, window_bounds = array<i64: 1024, 32>}, {pipeline_mode = #tpu.pipeline_mode<synchronous>, transform_indices = @transform_1, window_bounds = array<i64: 32, 8192>}, {transform_indices = @transform_2, window_bounds = array<i64: 1024, 1>}, {pipeline_mode = #tpu.pipeline_mode<synchronous>, transform_indices = @transform_3, window_bounds = array<i64: 1, 8192>}, {transform_indices = @transform_4, window_bounds = array<i64: 1024>}]} {
    %get3A = arith.constant 0 : index
    %get3A_0 = arith.constant 0 : index
    %get3A_1 = vector.load %arg1[%get3A, %get3A_0] : memref<1024x32xbf16, #tpu.memory_space<vmem>>, vector<1024x32xbf16>
    %convert_element_type3A = arith.extf %get3A_1 : vector<1024x32xbf16> to vector<1024x32xf32>
    %get3A_2 = arith.constant 0 : index
    %get3A_3 = arith.constant 0 : index
    %get3A_4 = vector.load %arg2[%get3A_2, %get3A_3] : memref<32x8192xf32, #tpu.memory_space<vmem>>, vector<32x8192xf32>
    %dot_general3A = arith.constant dense<0.000000e+00> : vector<1024x8192xf32>
    %dot_general3A_5 = tpu.matmul %convert_element_type3A, %get3A_4, %dot_general3A {dimension_numbers = #tpu.dot_dimension_numbers<[1], [0], [0], [1], [0, 0, 1, 1], [], []>, transpose_lhs_hint = false} : vector<1024x32xf32>, vector<32x8192xf32>, vector<1024x8192xf32> -> vector<1024x8192xf32>
    %get3A_6 = arith.constant 0 : index
    %get3A_7 = arith.constant 0 : index
    %get3A_8 = vector.load %arg3[%get3A_6, %get3A_7] : memref<1024x1xf32, #tpu.memory_space<vmem>>, vector<1024x1xf32>
    %get3A_9 = arith.constant 0 : index
    %get3A_10 = arith.constant 0 : index
    %get3A_11 = vector.load %arg4[%get3A_9, %get3A_10] : memref<1x8192xf32, #tpu.memory_space<vmem>>, vector<1x8192xf32>
    %add3A = vector.broadcast %get3A_8 : vector<1024x1xf32> to vector<1024x8192xf32>
    %add3A_12 = vector.broadcast %get3A_11 : vector<1x8192xf32> to vector<1024x8192xf32>
    %add3A_13 = arith.addf %add3A, %add3A_12 : vector<1024x8192xf32>
    %add3A_14 = arith.addf %add3A_13, %dot_general3A_5 : vector<1024x8192xf32>
    %rsqrt3A = math.rsqrt %add3A_14 : vector<1024x8192xf32>
    %mul3A = arith.mulf %add3A_14, %rsqrt3A : vector<1024x8192xf32>
    %slice3A = vector.extract_strided_slice %mul3A {offsets = [0, 0], sizes = [1024, 4096], strides = [1, 1]} : vector<1024x8192xf32> to vector<1024x4096xf32>
    %slice3A_15 = vector.extract_strided_slice %slice3A {offsets = [0, 0], sizes = [1024, 128], strides = [1, 1]} : vector<1024x4096xf32> to vector<1024x128xf32>
    %broadcast_in_dim3A = arith.constant 0 : i32
    %broadcast_in_dim3A_16 = vector.broadcast %broadcast_in_dim3A : i32 to vector<1024x128xi32>
    %slice3A_17 = vector.extract_strided_slice %slice3A {offsets = [0, 128], sizes = [1024, 128], strides = [1, 1]} : vector<1024x4096xf32> to vector<1024x128xf32>
    %lt3A = arith.cmpf olt, %slice3A_17, %slice3A_15 : vector<1024x128xf32>
    %select_n3A = arith.select %lt3A, %slice3A_17, %slice3A_15 : vector<1024x128xi1>, vector<1024x128xf32>
    %jit3A = arith.constant 1 : i32
    %broadcast_in_dim3A_18 = vector.broadcast %jit3A : i32 to vector<1024x128xi32>
    %select_n3A_19 = arith.select %lt3A, %broadcast_in_dim3A_18, %broadcast_in_dim3A_16 : vector<1024x128xi1>, vector<1024x128xi32>
    %slice3A_20 = vector.extract_strided_slice %slice3A {offsets = [0, 256], sizes = [1024, 128], strides = [1, 1]} : vector<1024x4096xf32> to vector<1024x128xf32>
    %lt3A_21 = arith.cmpf olt, %slice3A_20, %select_n3A : vector<1024x128xf32>
    %select_n3A_22 = arith.select %lt3A_21, %slice3A_20, %select_n3A : vector<1024x128xi1>, vector<1024x128xf32>
    %jit3A_23 = arith.constant 2 : i32
    %broadcast_in_dim3A_24 = vector.broadcast %jit3A_23 : i32 to vector<1024x128xi32>
    %select_n3A_25 = arith.select %lt3A_21, %broadcast_in_dim3A_24, %select_n3A_19 : vector<1024x128xi1>, vector<1024x128xi32>
    %slice3A_26 = vector.extract_strided_slice %slice3A {offsets = [0, 384], sizes = [1024, 128], strides = [1, 1]} : vector<1024x4096xf32> to vector<1024x128xf32>
    %lt3A_27 = arith.cmpf olt, %slice3A_26, %select_n3A_22 : vector<1024x128xf32>
    %select_n3A_28 = arith.select %lt3A_27, %slice3A_26, %select_n3A_22 : vector<1024x128xi1>, vector<1024x128xf32>
    %jit3A_29 = arith.constant 3 : i32
    %broadcast_in_dim3A_30 = vector.broadcast %jit3A_29 : i32 to vector<1024x128xi32>
    %select_n3A_31 = arith.select %lt3A_27, %broadcast_in_dim3A_30, %select_n3A_25 : vector<1024x128xi1>, vector<1024x128xi32>
    %slice3A_32 = vector.extract_strided_slice %slice3A {offsets = [0, 512], sizes = [1024, 128], strides = [1, 1]} : vector<1024x4096xf32> to vector<1024x128xf32>
    %lt3A_33 = arith.cmpf olt, %slice3A_32, %select_n3A_28 : vector<1024x128xf32>
    %select_n3A_34 = arith.select %lt3A_33, %slice3A_32, %select_n3A_28 : vector<1024x128xi1>, vector<1024x128xf32>
    %jit3A_35 = arith.constant 4 : i32
    %broadcast_in_dim3A_36 = vector.broadcast %jit3A_35 : i32 to vector<1024x128xi32>
    %select_n3A_37 = arith.select %lt3A_33, %broadcast_in_dim3A_36, %select_n3A_31 : vector<1024x128xi1>, vector<1024x128xi32>
    %slice3A_38 = vector.extract_strided_slice %slice3A {offsets = [0, 640], sizes = [1024, 128], strides = [1, 1]} : vector<1024x4096xf32> to vector<1024x128xf32>
    %lt3A_39 = arith.cmpf olt, %slice3A_38, %select_n3A_34 : vector<1024x128xf32>
    %select_n3A_40 = arith.select %lt3A_39, %slice3A_38, %select_n3A_34 : vector<1024x128xi1>, vector<1024x128xf32>
    %jit3A_41 = arith.constant 5 : i32
    %broadcast_in_dim3A_42 = vector.broadcast %jit3A_41 : i32 to vector<1024x128xi32>
    %select_n3A_43 = arith.select %lt3A_39, %broadcast_in_dim3A_42, %select_n3A_37 : vector<1024x128xi1>, vector<1024x128xi32>
    %slice3A_44 = vector.extract_strided_slice %slice3A {offsets = [0, 768], sizes = [1024, 128], strides = [1, 1]} : vector<1024x4096xf32> to vector<1024x128xf32>
    %lt3A_45 = arith.cmpf olt, %slice3A_44, %select_n3A_40 : vector<1024x128xf32>
    %select_n3A_46 = arith.select %lt3A_45, %slice3A_44, %select_n3A_40 : vector<1024x128xi1>, vector<1024x128xf32>
    %jit3A_47 = arith.constant 6 : i32
    %broadcast_in_dim3A_48 = vector.broadcast %jit3A_47 : i32 to vector<1024x128xi32>
    %select_n3A_49 = arith.select %lt3A_45, %broadcast_in_dim3A_48, %select_n3A_43 : vector<1024x128xi1>, vector<1024x128xi32>
    %slice3A_50 = vector.extract_strided_slice %slice3A {offsets = [0, 896], sizes = [1024, 128], strides = [1, 1]} : vector<1024x4096xf32> to vector<1024x128xf32>
    %lt3A_51 = arith.cmpf olt, %slice3A_50, %select_n3A_46 : vector<1024x128xf32>
    %select_n3A_52 = arith.select %lt3A_51, %slice3A_50, %select_n3A_46 : vector<1024x128xi1>, vector<1024x128xf32>
    %jit3A_53 = arith.constant 7 : i32
    %broadcast_in_dim3A_54 = vector.broadcast %jit3A_53 : i32 to vector<1024x128xi32>
    %select_n3A_55 = arith.select %lt3A_51, %broadcast_in_dim3A_54, %select_n3A_49 : vector<1024x128xi1>, vector<1024x128xi32>
    %slice3A_56 = vector.extract_strided_slice %slice3A {offsets = [0, 1024], sizes = [1024, 128], strides = [1, 1]} : vector<1024x4096xf32> to vector<1024x128xf32>
    %lt3A_57 = arith.cmpf olt, %slice3A_56, %select_n3A_52 : vector<1024x128xf32>
    %select_n3A_58 = arith.select %lt3A_57, %slice3A_56, %select_n3A_52 : vector<1024x128xi1>, vector<1024x128xf32>
    %jit3A_59 = arith.constant 8 : i32
    %broadcast_in_dim3A_60 = vector.broadcast %jit3A_59 : i32 to vector<1024x128xi32>
    %select_n3A_61 = arith.select %lt3A_57, %broadcast_in_dim3A_60, %select_n3A_55 : vector<1024x128xi1>, vector<1024x128xi32>
    %slice3A_62 = vector.extract_strided_slice %slice3A {offsets = [0, 1152], sizes = [1024, 128], strides = [1, 1]} : vector<1024x4096xf32> to vector<1024x128xf32>
    %lt3A_63 = arith.cmpf olt, %slice3A_62, %select_n3A_58 : vector<1024x128xf32>
    %select_n3A_64 = arith.select %lt3A_63, %slice3A_62, %select_n3A_58 : vector<1024x128xi1>, vector<1024x128xf32>
    %jit3A_65 = arith.constant 9 : i32
    %broadcast_in_dim3A_66 = vector.broadcast %jit3A_65 : i32 to vector<1024x128xi32>
    %select_n3A_67 = arith.select %lt3A_63, %broadcast_in_dim3A_66, %select_n3A_61 : vector<1024x128xi1>, vector<1024x128xi32>
    %slice3A_68 = vector.extract_strided_slice %slice3A {offsets = [0, 1280], sizes = [1024, 128], strides = [1, 1]} : vector<1024x4096xf32> to vector<1024x128xf32>
    %lt3A_69 = arith.cmpf olt, %slice3A_68, %select_n3A_64 : vector<1024x128xf32>
    %select_n3A_70 = arith.select %lt3A_69, %slice3A_68, %select_n3A_64 : vector<1024x128xi1>, vector<1024x128xf32>
    %jit3A_71 = arith.constant 10 : i32
    %broadcast_in_dim3A_72 = vector.broadcast %jit3A_71 : i32 to vector<1024x128xi32>
    %select_n3A_73 = arith.select %lt3A_69, %broadcast_in_dim3A_72, %select_n3A_67 : vector<1024x128xi1>, vector<1024x128xi32>
    %slice3A_74 = vector.extract_strided_slice %slice3A {offsets = [0, 1408], sizes = [1024, 128], strides = [1, 1]} : vector<1024x4096xf32> to vector<1024x128xf32>
    %lt3A_75 = arith.cmpf olt, %slice3A_74, %select_n3A_70 : vector<1024x128xf32>
    %select_n3A_76 = arith.select %lt3A_75, %slice3A_74, %select_n3A_70 : vector<1024x128xi1>, vector<1024x128xf32>
    %jit3A_77 = arith.constant 11 : i32
    %broadcast_in_dim3A_78 = vector.broadcast %jit3A_77 : i32 to vector<1024x128xi32>
    %select_n3A_79 = arith.select %lt3A_75, %broadcast_in_dim3A_78, %select_n3A_73 : vector<1024x128xi1>, vector<1024x128xi32>
    %slice3A_80 = vector.extract_strided_slice %slice3A {offsets = [0, 1536], sizes = [1024, 128], strides = [1, 1]} : vector<1024x4096xf32> to vector<1024x128xf32>
    %lt3A_81 = arith.cmpf olt, %slice3A_80, %select_n3A_76 : vector<1024x128xf32>
    %select_n3A_82 = arith.select %lt3A_81, %slice3A_80, %select_n3A_76 : vector<1024x128xi1>, vector<1024x128xf32>
    %jit3A_83 = arith.constant 12 : i32
    %broadcast_in_dim3A_84 = vector.broadcast %jit3A_83 : i32 to vector<1024x128xi32>
    %select_n3A_85 = arith.select %lt3A_81, %broadcast_in_dim3A_84, %select_n3A_79 : vector<1024x128xi1>, vector<1024x128xi32>
    %slice3A_86 = vector.extract_strided_slice %slice3A {offsets = [0, 1664], sizes = [1024, 128], strides = [1, 1]} : vector<1024x4096xf32> to vector<1024x128xf32>
    %lt3A_87 = arith.cmpf olt, %slice3A_86, %select_n3A_82 : vector<1024x128xf32>
    %select_n3A_88 = arith.select %lt3A_87, %slice3A_86, %select_n3A_82 : vector<1024x128xi1>, vector<1024x128xf32>
    %jit3A_89 = arith.constant 13 : i32
    %broadcast_in_dim3A_90 = vector.broadcast %jit3A_89 : i32 to vector<1024x128xi32>
    %select_n3A_91 = arith.select %lt3A_87, %broadcast_in_dim3A_90, %select_n3A_85 : vector<1024x128xi1>, vector<1024x128xi32>
    %slice3A_92 = vector.extract_strided_slice %slice3A {offsets = [0, 1792], sizes = [1024, 128], strides = [1, 1]} : vector<1024x4096xf32> to vector<1024x128xf32>
    %lt3A_93 = arith.cmpf olt, %slice3A_92, %select_n3A_88 : vector<1024x128xf32>
    %select_n3A_94 = arith.select %lt3A_93, %slice3A_92, %select_n3A_88 : vector<1024x128xi1>, vector<1024x128xf32>
    %jit3A_95 = arith.constant 14 : i32
    %broadcast_in_dim3A_96 = vector.broadcast %jit3A_95 : i32 to vector<1024x128xi32>
    %select_n3A_97 = arith.select %lt3A_93, %broadcast_in_dim3A_96, %select_n3A_91 : vector<1024x128xi1>, vector<1024x128xi32>
    %slice3A_98 = vector.extract_strided_slice %slice3A {offsets = [0, 1920], sizes = [1024, 128], strides = [1, 1]} : vector<1024x4096xf32> to vector<1024x128xf32>
    %lt3A_99 = arith.cmpf olt, %slice3A_98, %select_n3A_94 : vector<1024x128xf32>
    %select_n3A_100 = arith.select %lt3A_99, %slice3A_98, %select_n3A_94 : vector<1024x128xi1>, vector<1024x128xf32>
    %jit3A_101 = arith.constant 15 : i32
    %broadcast_in_dim3A_102 = vector.broadcast %jit3A_101 : i32 to vector<1024x128xi32>
    %select_n3A_103 = arith.select %lt3A_99, %broadcast_in_dim3A_102, %select_n3A_97 : vector<1024x128xi1>, vector<1024x128xi32>
    %slice3A_104 = vector.extract_strided_slice %slice3A {offsets = [0, 2048], sizes = [1024, 128], strides = [1, 1]} : vector<1024x4096xf32> to vector<1024x128xf32>
    %lt3A_105 = arith.cmpf olt, %slice3A_104, %select_n3A_100 : vector<1024x128xf32>
    %select_n3A_106 = arith.select %lt3A_105, %slice3A_104, %select_n3A_100 : vector<1024x128xi1>, vector<1024x128xf32>
    %jit3A_107 = arith.constant 16 : i32
    %broadcast_in_dim3A_108 = vector.broadcast %jit3A_107 : i32 to vector<1024x128xi32>
    %select_n3A_109 = arith.select %lt3A_105, %broadcast_in_dim3A_108, %select_n3A_103 : vector<1024x128xi1>, vector<1024x128xi32>
    %slice3A_110 = vector.extract_strided_slice %slice3A {offsets = [0, 2176], sizes = [1024, 128], strides = [1, 1]} : vector<1024x4096xf32> to vector<1024x128xf32>
    %lt3A_111 = arith.cmpf olt, %slice3A_110, %select_n3A_106 : vector<1024x128xf32>
    %select_n3A_112 = arith.select %lt3A_111, %slice3A_110, %select_n3A_106 : vector<1024x128xi1>, vector<1024x128xf32>
    %jit3A_113 = arith.constant 17 : i32
    %broadcast_in_dim3A_114 = vector.broadcast %jit3A_113 : i32 to vector<1024x128xi32>
    %select_n3A_115 = arith.select %lt3A_111, %broadcast_in_dim3A_114, %select_n3A_109 : vector<1024x128xi1>, vector<1024x128xi32>
    %slice3A_116 = vector.extract_strided_slice %slice3A {offsets = [0, 2304], sizes = [1024, 128], strides = [1, 1]} : vector<1024x4096xf32> to vector<1024x128xf32>
    %lt3A_117 = arith.cmpf olt, %slice3A_116, %select_n3A_112 : vector<1024x128xf32>
    %select_n3A_118 = arith.select %lt3A_117, %slice3A_116, %select_n3A_112 : vector<1024x128xi1>, vector<1024x128xf32>
    %jit3A_119 = arith.constant 18 : i32
    %broadcast_in_dim3A_120 = vector.broadcast %jit3A_119 : i32 to vector<1024x128xi32>
    %select_n3A_121 = arith.select %lt3A_117, %broadcast_in_dim3A_120, %select_n3A_115 : vector<1024x128xi1>, vector<1024x128xi32>
    %slice3A_122 = vector.extract_strided_slice %slice3A {offsets = [0, 2432], sizes = [1024, 128], strides = [1, 1]} : vector<1024x4096xf32> to vector<1024x128xf32>
    %lt3A_123 = arith.cmpf olt, %slice3A_122, %select_n3A_118 : vector<1024x128xf32>
    %select_n3A_124 = arith.select %lt3A_123, %slice3A_122, %select_n3A_118 : vector<1024x128xi1>, vector<1024x128xf32>
    %jit3A_125 = arith.constant 19 : i32
    %broadcast_in_dim3A_126 = vector.broadcast %jit3A_125 : i32 to vector<1024x128xi32>
    %select_n3A_127 = arith.select %lt3A_123, %broadcast_in_dim3A_126, %select_n3A_121 : vector<1024x128xi1>, vector<1024x128xi32>
    %slice3A_128 = vector.extract_strided_slice %slice3A {offsets = [0, 2560], sizes = [1024, 128], strides = [1, 1]} : vector<1024x4096xf32> to vector<1024x128xf32>
    %lt3A_129 = arith.cmpf olt, %slice3A_128, %select_n3A_124 : vector<1024x128xf32>
    %select_n3A_130 = arith.select %lt3A_129, %slice3A_128, %select_n3A_124 : vector<1024x128xi1>, vector<1024x128xf32>
    %jit3A_131 = arith.constant 20 : i32
    %broadcast_in_dim3A_132 = vector.broadcast %jit3A_131 : i32 to vector<1024x128xi32>
    %select_n3A_133 = arith.select %lt3A_129, %broadcast_in_dim3A_132, %select_n3A_127 : vector<1024x128xi1>, vector<1024x128xi32>
    %slice3A_134 = vector.extract_strided_slice %slice3A {offsets = [0, 2688], sizes = [1024, 128], strides = [1, 1]} : vector<1024x4096xf32> to vector<1024x128xf32>
    %lt3A_135 = arith.cmpf olt, %slice3A_134, %select_n3A_130 : vector<1024x128xf32>
    %select_n3A_136 = arith.select %lt3A_135, %slice3A_134, %select_n3A_130 : vector<1024x128xi1>, vector<1024x128xf32>
    %jit3A_137 = arith.constant 21 : i32
    %broadcast_in_dim3A_138 = vector.broadcast %jit3A_137 : i32 to vector<1024x128xi32>
    %select_n3A_139 = arith.select %lt3A_135, %broadcast_in_dim3A_138, %select_n3A_133 : vector<1024x128xi1>, vector<1024x128xi32>
    %slice3A_140 = vector.extract_strided_slice %slice3A {offsets = [0, 2816], sizes = [1024, 128], strides = [1, 1]} : vector<1024x4096xf32> to vector<1024x128xf32>
    %lt3A_141 = arith.cmpf olt, %slice3A_140, %select_n3A_136 : vector<1024x128xf32>
    %select_n3A_142 = arith.select %lt3A_141, %slice3A_140, %select_n3A_136 : vector<1024x128xi1>, vector<1024x128xf32>
    %jit3A_143 = arith.constant 22 : i32
    %broadcast_in_dim3A_144 = vector.broadcast %jit3A_143 : i32 to vector<1024x128xi32>
    %select_n3A_145 = arith.select %lt3A_141, %broadcast_in_dim3A_144, %select_n3A_139 : vector<1024x128xi1>, vector<1024x128xi32>
    %slice3A_146 = vector.extract_strided_slice %slice3A {offsets = [0, 2944], sizes = [1024, 128], strides = [1, 1]} : vector<1024x4096xf32> to vector<1024x128xf32>
    %lt3A_147 = arith.cmpf olt, %slice3A_146, %select_n3A_142 : vector<1024x128xf32>
    %select_n3A_148 = arith.select %lt3A_147, %slice3A_146, %select_n3A_142 : vector<1024x128xi1>, vector<1024x128xf32>
    %jit3A_149 = arith.constant 23 : i32
    %broadcast_in_dim3A_150 = vector.broadcast %jit3A_149 : i32 to vector<1024x128xi32>
    %select_n3A_151 = arith.select %lt3A_147, %broadcast_in_dim3A_150, %select_n3A_145 : vector<1024x128xi1>, vector<1024x128xi32>
    %slice3A_152 = vector.extract_strided_slice %slice3A {offsets = [0, 3072], sizes = [1024, 128], strides = [1, 1]} : vector<1024x4096xf32> to vector<1024x128xf32>
    %lt3A_153 = arith.cmpf olt, %slice3A_152, %select_n3A_148 : vector<1024x128xf32>
    %select_n3A_154 = arith.select %lt3A_153, %slice3A_152, %select_n3A_148 : vector<1024x128xi1>, vector<1024x128xf32>
    %jit3A_155 = arith.constant 24 : i32
    %broadcast_in_dim3A_156 = vector.broadcast %jit3A_155 : i32 to vector<1024x128xi32>
    %select_n3A_157 = arith.select %lt3A_153, %broadcast_in_dim3A_156, %select_n3A_151 : vector<1024x128xi1>, vector<1024x128xi32>
    %slice3A_158 = vector.extract_strided_slice %slice3A {offsets = [0, 3200], sizes = [1024, 128], strides = [1, 1]} : vector<1024x4096xf32> to vector<1024x128xf32>
    %lt3A_159 = arith.cmpf olt, %slice3A_158, %select_n3A_154 : vector<1024x128xf32>
    %select_n3A_160 = arith.select %lt3A_159, %slice3A_158, %select_n3A_154 : vector<1024x128xi1>, vector<1024x128xf32>
    %jit3A_161 = arith.constant 25 : i32
    %broadcast_in_dim3A_162 = vector.broadcast %jit3A_161 : i32 to vector<1024x128xi32>
    %select_n3A_163 = arith.select %lt3A_159, %broadcast_in_dim3A_162, %select_n3A_157 : vector<1024x128xi1>, vector<1024x128xi32>
    %slice3A_164 = vector.extract_strided_slice %slice3A {offsets = [0, 3328], sizes = [1024, 128], strides = [1, 1]} : vector<1024x4096xf32> to vector<1024x128xf32>
    %lt3A_165 = arith.cmpf olt, %slice3A_164, %select_n3A_160 : vector<1024x128xf32>
    %select_n3A_166 = arith.select %lt3A_165, %slice3A_164, %select_n3A_160 : vector<1024x128xi1>, vector<1024x128xf32>
    %jit3A_167 = arith.constant 26 : i32
    %broadcast_in_dim3A_168 = vector.broadcast %jit3A_167 : i32 to vector<1024x128xi32>
    %select_n3A_169 = arith.select %lt3A_165, %broadcast_in_dim3A_168, %select_n3A_163 : vector<1024x128xi1>, vector<1024x128xi32>
    %slice3A_170 = vector.extract_strided_slice %slice3A {offsets = [0, 3456], sizes = [1024, 128], strides = [1, 1]} : vector<1024x4096xf32> to vector<1024x128xf32>
    %lt3A_171 = arith.cmpf olt, %slice3A_170, %select_n3A_166 : vector<1024x128xf32>
    %select_n3A_172 = arith.select %lt3A_171, %slice3A_170, %select_n3A_166 : vector<1024x128xi1>, vector<1024x128xf32>
    %jit3A_173 = arith.constant 27 : i32
    %broadcast_in_dim3A_174 = vector.broadcast %jit3A_173 : i32 to vector<1024x128xi32>
    %select_n3A_175 = arith.select %lt3A_171, %broadcast_in_dim3A_174, %select_n3A_169 : vector<1024x128xi1>, vector<1024x128xi32>
    %slice3A_176 = vector.extract_strided_slice %slice3A {offsets = [0, 3584], sizes = [1024, 128], strides = [1, 1]} : vector<1024x4096xf32> to vector<1024x128xf32>
    %lt3A_177 = arith.cmpf olt, %slice3A_176, %select_n3A_172 : vector<1024x128xf32>
    %select_n3A_178 = arith.select %lt3A_177, %slice3A_176, %select_n3A_172 : vector<1024x128xi1>, vector<1024x128xf32>
    %jit3A_179 = arith.constant 28 : i32
    %broadcast_in_dim3A_180 = vector.broadcast %jit3A_179 : i32 to vector<1024x128xi32>
    %select_n3A_181 = arith.select %lt3A_177, %broadcast_in_dim3A_180, %select_n3A_175 : vector<1024x128xi1>, vector<1024x128xi32>
    %slice3A_182 = vector.extract_strided_slice %slice3A {offsets = [0, 3712], sizes = [1024, 128], strides = [1, 1]} : vector<1024x4096xf32> to vector<1024x128xf32>
    %lt3A_183 = arith.cmpf olt, %slice3A_182, %select_n3A_178 : vector<1024x128xf32>
    %select_n3A_184 = arith.select %lt3A_183, %slice3A_182, %select_n3A_178 : vector<1024x128xi1>, vector<1024x128xf32>
    %jit3A_185 = arith.constant 29 : i32
    %broadcast_in_dim3A_186 = vector.broadcast %jit3A_185 : i32 to vector<1024x128xi32>
    %select_n3A_187 = arith.select %lt3A_183, %broadcast_in_dim3A_186, %select_n3A_181 : vector<1024x128xi1>, vector<1024x128xi32>
    %slice3A_188 = vector.extract_strided_slice %slice3A {offsets = [0, 3840], sizes = [1024, 128], strides = [1, 1]} : vector<1024x4096xf32> to vector<1024x128xf32>
    %lt3A_189 = arith.cmpf olt, %slice3A_188, %select_n3A_184 : vector<1024x128xf32>
    %select_n3A_190 = arith.select %lt3A_189, %slice3A_188, %select_n3A_184 : vector<1024x128xi1>, vector<1024x128xf32>
    %jit3A_191 = arith.constant 30 : i32
    %broadcast_in_dim3A_192 = vector.broadcast %jit3A_191 : i32 to vector<1024x128xi32>
    %select_n3A_193 = arith.select %lt3A_189, %broadcast_in_dim3A_192, %select_n3A_187 : vector<1024x128xi1>, vector<1024x128xi32>
    %slice3A_194 = vector.extract_strided_slice %slice3A {offsets = [0, 3968], sizes = [1024, 128], strides = [1, 1]} : vector<1024x4096xf32> to vector<1024x128xf32>
    %lt3A_195 = arith.cmpf olt, %slice3A_194, %select_n3A_190 : vector<1024x128xf32>
    %select_n3A_196 = arith.select %lt3A_195, %slice3A_194, %select_n3A_190 : vector<1024x128xi1>, vector<1024x128xf32>
    %jit3A_197 = arith.constant 31 : i32
    %broadcast_in_dim3A_198 = vector.broadcast %jit3A_197 : i32 to vector<1024x128xi32>
    %select_n3A_199 = arith.select %lt3A_195, %broadcast_in_dim3A_198, %select_n3A_193 : vector<1024x128xi1>, vector<1024x128xi32>
    %iota3A = tpu.iota {dimensions = array<i32: 1>} : vector<1024x128xi32>
    %add3A_200 = arith.constant 0 : i32
    %add3A_201 = vector.broadcast %add3A_200 : i32 to vector<1024x128xi32>
    %add3A_202 = arith.addi %iota3A, %add3A_201 : vector<1024x128xi32>
    %mul3A_203 = arith.constant 128 : i32
    %mul3A_204 = vector.broadcast %mul3A_203 : i32 to vector<1024x128xi32>
    %mul3A_205 = arith.muli %select_n3A_199, %mul3A_204 : vector<1024x128xi32>
    %add3A_206 = arith.addi %mul3A_205, %add3A_202 : vector<1024x128xi32>
    %reduce_min3A = arith.constant dense<0x7F800000> : vector<1024xf32>
    %reduce_min3A_207 = vector.multi_reduction <minimumf>, %select_n3A_196, %reduce_min3A [1] : vector<1024x128xf32> to vector<1024xf32>
    %broadcast_in_dim3A_208 = vector.shape_cast %reduce_min3A_207 : vector<1024xf32> to vector<1024x1xf32>
    %eq3A = vector.broadcast %broadcast_in_dim3A_208 : vector<1024x1xf32> to vector<1024x128xf32>
    %eq3A_209 = arith.cmpf oeq, %select_n3A_196, %eq3A : vector<1024x128xf32>
    %jit3A_210 = arith.constant 1073741824 : i32
    %broadcast_in_dim3A_211 = vector.broadcast %jit3A_210 : i32 to vector<1024x128xi32>
    %select_n3A_212 = arith.select %eq3A_209, %add3A_206, %broadcast_in_dim3A_211 : vector<1024x128xi1>, vector<1024x128xi32>
    %reduce_min3A_213 = arith.constant dense<2147483647> : vector<1024xi32>
    %reduce_min3A_214 = vector.multi_reduction <minsi>, %select_n3A_212, %reduce_min3A_213 [1] : vector<1024x128xi32> to vector<1024xi32>
    %squeeze3A = vector.shape_cast %broadcast_in_dim3A_208 : vector<1024x1xf32> to vector<1024xf32>
    %slice3A_215 = vector.extract_strided_slice %mul3A {offsets = [0, 4096], sizes = [1024, 4096], strides = [1, 1]} : vector<1024x8192xf32> to vector<1024x4096xf32>
    %slice3A_216 = vector.extract_strided_slice %slice3A_215 {offsets = [0, 0], sizes = [1024, 128], strides = [1, 1]} : vector<1024x4096xf32> to vector<1024x128xf32>
    %broadcast_in_dim3A_217 = arith.constant 0 : i32
    %broadcast_in_dim3A_218 = vector.broadcast %broadcast_in_dim3A_217 : i32 to vector<1024x128xi32>
    %slice3A_219 = vector.extract_strided_slice %slice3A_215 {offsets = [0, 128], sizes = [1024, 128], strides = [1, 1]} : vector<1024x4096xf32> to vector<1024x128xf32>
    %lt3A_220 = arith.cmpf olt, %slice3A_219, %slice3A_216 : vector<1024x128xf32>
    %select_n3A_221 = arith.select %lt3A_220, %slice3A_219, %slice3A_216 : vector<1024x128xi1>, vector<1024x128xf32>
    %jit3A_222 = arith.constant 1 : i32
    %broadcast_in_dim3A_223 = vector.broadcast %jit3A_222 : i32 to vector<1024x128xi32>
    %select_n3A_224 = arith.select %lt3A_220, %broadcast_in_dim3A_223, %broadcast_in_dim3A_218 : vector<1024x128xi1>, vector<1024x128xi32>
    %slice3A_225 = vector.extract_strided_slice %slice3A_215 {offsets = [0, 256], sizes = [1024, 128], strides = [1, 1]} : vector<1024x4096xf32> to vector<1024x128xf32>
    %lt3A_226 = arith.cmpf olt, %slice3A_225, %select_n3A_221 : vector<1024x128xf32>
    %select_n3A_227 = arith.select %lt3A_226, %slice3A_225, %select_n3A_221 : vector<1024x128xi1>, vector<1024x128xf32>
    %jit3A_228 = arith.constant 2 : i32
    %broadcast_in_dim3A_229 = vector.broadcast %jit3A_228 : i32 to vector<1024x128xi32>
    %select_n3A_230 = arith.select %lt3A_226, %broadcast_in_dim3A_229, %select_n3A_224 : vector<1024x128xi1>, vector<1024x128xi32>
    %slice3A_231 = vector.extract_strided_slice %slice3A_215 {offsets = [0, 384], sizes = [1024, 128], strides = [1, 1]} : vector<1024x4096xf32> to vector<1024x128xf32>
    %lt3A_232 = arith.cmpf olt, %slice3A_231, %select_n3A_227 : vector<1024x128xf32>
    %select_n3A_233 = arith.select %lt3A_232, %slice3A_231, %select_n3A_227 : vector<1024x128xi1>, vector<1024x128xf32>
    %jit3A_234 = arith.constant 3 : i32
    %broadcast_in_dim3A_235 = vector.broadcast %jit3A_234 : i32 to vector<1024x128xi32>
    %select_n3A_236 = arith.select %lt3A_232, %broadcast_in_dim3A_235, %select_n3A_230 : vector<1024x128xi1>, vector<1024x128xi32>
    %slice3A_237 = vector.extract_strided_slice %slice3A_215 {offsets = [0, 512], sizes = [1024, 128], strides = [1, 1]} : vector<1024x4096xf32> to vector<1024x128xf32>
    %lt3A_238 = arith.cmpf olt, %slice3A_237, %select_n3A_233 : vector<1024x128xf32>
    %select_n3A_239 = arith.select %lt3A_238, %slice3A_237, %select_n3A_233 : vector<1024x128xi1>, vector<1024x128xf32>
    %jit3A_240 = arith.constant 4 : i32
    %broadcast_in_dim3A_241 = vector.broadcast %jit3A_240 : i32 to vector<1024x128xi32>
    %select_n3A_242 = arith.select %lt3A_238, %broadcast_in_dim3A_241, %select_n3A_236 : vector<1024x128xi1>, vector<1024x128xi32>
    %slice3A_243 = vector.extract_strided_slice %slice3A_215 {offsets = [0, 640], sizes = [1024, 128], strides = [1, 1]} : vector<1024x4096xf32> to vector<1024x128xf32>
    %lt3A_244 = arith.cmpf olt, %slice3A_243, %select_n3A_239 : vector<1024x128xf32>
    %select_n3A_245 = arith.select %lt3A_244, %slice3A_243, %select_n3A_239 : vector<1024x128xi1>, vector<1024x128xf32>
    %jit3A_246 = arith.constant 5 : i32
    %broadcast_in_dim3A_247 = vector.broadcast %jit3A_246 : i32 to vector<1024x128xi32>
    %select_n3A_248 = arith.select %lt3A_244, %broadcast_in_dim3A_247, %select_n3A_242 : vector<1024x128xi1>, vector<1024x128xi32>
    %slice3A_249 = vector.extract_strided_slice %slice3A_215 {offsets = [0, 768], sizes = [1024, 128], strides = [1, 1]} : vector<1024x4096xf32> to vector<1024x128xf32>
    %lt3A_250 = arith.cmpf olt, %slice3A_249, %select_n3A_245 : vector<1024x128xf32>
    %select_n3A_251 = arith.select %lt3A_250, %slice3A_249, %select_n3A_245 : vector<1024x128xi1>, vector<1024x128xf32>
    %jit3A_252 = arith.constant 6 : i32
    %broadcast_in_dim3A_253 = vector.broadcast %jit3A_252 : i32 to vector<1024x128xi32>
    %select_n3A_254 = arith.select %lt3A_250, %broadcast_in_dim3A_253, %select_n3A_248 : vector<1024x128xi1>, vector<1024x128xi32>
    %slice3A_255 = vector.extract_strided_slice %slice3A_215 {offsets = [0, 896], sizes = [1024, 128], strides = [1, 1]} : vector<1024x4096xf32> to vector<1024x128xf32>
    %lt3A_256 = arith.cmpf olt, %slice3A_255, %select_n3A_251 : vector<1024x128xf32>
    %select_n3A_257 = arith.select %lt3A_256, %slice3A_255, %select_n3A_251 : vector<1024x128xi1>, vector<1024x128xf32>
    %jit3A_258 = arith.constant 7 : i32
    %broadcast_in_dim3A_259 = vector.broadcast %jit3A_258 : i32 to vector<1024x128xi32>
    %select_n3A_260 = arith.select %lt3A_256, %broadcast_in_dim3A_259, %select_n3A_254 : vector<1024x128xi1>, vector<1024x128xi32>
    %slice3A_261 = vector.extract_strided_slice %slice3A_215 {offsets = [0, 1024], sizes = [1024, 128], strides = [1, 1]} : vector<1024x4096xf32> to vector<1024x128xf32>
    %lt3A_262 = arith.cmpf olt, %slice3A_261, %select_n3A_257 : vector<1024x128xf32>
    %select_n3A_263 = arith.select %lt3A_262, %slice3A_261, %select_n3A_257 : vector<1024x128xi1>, vector<1024x128xf32>
    %jit3A_264 = arith.constant 8 : i32
    %broadcast_in_dim3A_265 = vector.broadcast %jit3A_264 : i32 to vector<1024x128xi32>
    %select_n3A_266 = arith.select %lt3A_262, %broadcast_in_dim3A_265, %select_n3A_260 : vector<1024x128xi1>, vector<1024x128xi32>
    %slice3A_267 = vector.extract_strided_slice %slice3A_215 {offsets = [0, 1152], sizes = [1024, 128], strides = [1, 1]} : vector<1024x4096xf32> to vector<1024x128xf32>
    %lt3A_268 = arith.cmpf olt, %slice3A_267, %select_n3A_263 : vector<1024x128xf32>
    %select_n3A_269 = arith.select %lt3A_268, %slice3A_267, %select_n3A_263 : vector<1024x128xi1>, vector<1024x128xf32>
    %jit3A_270 = arith.constant 9 : i32
    %broadcast_in_dim3A_271 = vector.broadcast %jit3A_270 : i32 to vector<1024x128xi32>
    %select_n3A_272 = arith.select %lt3A_268, %broadcast_in_dim3A_271, %select_n3A_266 : vector<1024x128xi1>, vector<1024x128xi32>
    %slice3A_273 = vector.extract_strided_slice %slice3A_215 {offsets = [0, 1280], sizes = [1024, 128], strides = [1, 1]} : vector<1024x4096xf32> to vector<1024x128xf32>
    %lt3A_274 = arith.cmpf olt, %slice3A_273, %select_n3A_269 : vector<1024x128xf32>
    %select_n3A_275 = arith.select %lt3A_274, %slice3A_273, %select_n3A_269 : vector<1024x128xi1>, vector<1024x128xf32>
    %jit3A_276 = arith.constant 10 : i32
    %broadcast_in_dim3A_277 = vector.broadcast %jit3A_276 : i32 to vector<1024x128xi32>
    %select_n3A_278 = arith.select %lt3A_274, %broadcast_in_dim3A_277, %select_n3A_272 : vector<1024x128xi1>, vector<1024x128xi32>
    %slice3A_279 = vector.extract_strided_slice %slice3A_215 {offsets = [0, 1408], sizes = [1024, 128], strides = [1, 1]} : vector<1024x4096xf32> to vector<1024x128xf32>
    %lt3A_280 = arith.cmpf olt, %slice3A_279, %select_n3A_275 : vector<1024x128xf32>
    %select_n3A_281 = arith.select %lt3A_280, %slice3A_279, %select_n3A_275 : vector<1024x128xi1>, vector<1024x128xf32>
    %jit3A_282 = arith.constant 11 : i32
    %broadcast_in_dim3A_283 = vector.broadcast %jit3A_282 : i32 to vector<1024x128xi32>
    %select_n3A_284 = arith.select %lt3A_280, %broadcast_in_dim3A_283, %select_n3A_278 : vector<1024x128xi1>, vector<1024x128xi32>
    %slice3A_285 = vector.extract_strided_slice %slice3A_215 {offsets = [0, 1536], sizes = [1024, 128], strides = [1, 1]} : vector<1024x4096xf32> to vector<1024x128xf32>
    %lt3A_286 = arith.cmpf olt, %slice3A_285, %select_n3A_281 : vector<1024x128xf32>
    %select_n3A_287 = arith.select %lt3A_286, %slice3A_285, %select_n3A_281 : vector<1024x128xi1>, vector<1024x128xf32>
    %jit3A_288 = arith.constant 12 : i32
    %broadcast_in_dim3A_289 = vector.broadcast %jit3A_288 : i32 to vector<1024x128xi32>
    %select_n3A_290 = arith.select %lt3A_286, %broadcast_in_dim3A_289, %select_n3A_284 : vector<1024x128xi1>, vector<1024x128xi32>
    %slice3A_291 = vector.extract_strided_slice %slice3A_215 {offsets = [0, 1664], sizes = [1024, 128], strides = [1, 1]} : vector<1024x4096xf32> to vector<1024x128xf32>
    %lt3A_292 = arith.cmpf olt, %slice3A_291, %select_n3A_287 : vector<1024x128xf32>
    %select_n3A_293 = arith.select %lt3A_292, %slice3A_291, %select_n3A_287 : vector<1024x128xi1>, vector<1024x128xf32>
    %jit3A_294 = arith.constant 13 : i32
    %broadcast_in_dim3A_295 = vector.broadcast %jit3A_294 : i32 to vector<1024x128xi32>
    %select_n3A_296 = arith.select %lt3A_292, %broadcast_in_dim3A_295, %select_n3A_290 : vector<1024x128xi1>, vector<1024x128xi32>
    %slice3A_297 = vector.extract_strided_slice %slice3A_215 {offsets = [0, 1792], sizes = [1024, 128], strides = [1, 1]} : vector<1024x4096xf32> to vector<1024x128xf32>
    %lt3A_298 = arith.cmpf olt, %slice3A_297, %select_n3A_293 : vector<1024x128xf32>
    %select_n3A_299 = arith.select %lt3A_298, %slice3A_297, %select_n3A_293 : vector<1024x128xi1>, vector<1024x128xf32>
    %jit3A_300 = arith.constant 14 : i32
    %broadcast_in_dim3A_301 = vector.broadcast %jit3A_300 : i32 to vector<1024x128xi32>
    %select_n3A_302 = arith.select %lt3A_298, %broadcast_in_dim3A_301, %select_n3A_296 : vector<1024x128xi1>, vector<1024x128xi32>
    %slice3A_303 = vector.extract_strided_slice %slice3A_215 {offsets = [0, 1920], sizes = [1024, 128], strides = [1, 1]} : vector<1024x4096xf32> to vector<1024x128xf32>
    %lt3A_304 = arith.cmpf olt, %slice3A_303, %select_n3A_299 : vector<1024x128xf32>
    %select_n3A_305 = arith.select %lt3A_304, %slice3A_303, %select_n3A_299 : vector<1024x128xi1>, vector<1024x128xf32>
    %jit3A_306 = arith.constant 15 : i32
    %broadcast_in_dim3A_307 = vector.broadcast %jit3A_306 : i32 to vector<1024x128xi32>
    %select_n3A_308 = arith.select %lt3A_304, %broadcast_in_dim3A_307, %select_n3A_302 : vector<1024x128xi1>, vector<1024x128xi32>
    %slice3A_309 = vector.extract_strided_slice %slice3A_215 {offsets = [0, 2048], sizes = [1024, 128], strides = [1, 1]} : vector<1024x4096xf32> to vector<1024x128xf32>
    %lt3A_310 = arith.cmpf olt, %slice3A_309, %select_n3A_305 : vector<1024x128xf32>
    %select_n3A_311 = arith.select %lt3A_310, %slice3A_309, %select_n3A_305 : vector<1024x128xi1>, vector<1024x128xf32>
    %jit3A_312 = arith.constant 16 : i32
    %broadcast_in_dim3A_313 = vector.broadcast %jit3A_312 : i32 to vector<1024x128xi32>
    %select_n3A_314 = arith.select %lt3A_310, %broadcast_in_dim3A_313, %select_n3A_308 : vector<1024x128xi1>, vector<1024x128xi32>
    %slice3A_315 = vector.extract_strided_slice %slice3A_215 {offsets = [0, 2176], sizes = [1024, 128], strides = [1, 1]} : vector<1024x4096xf32> to vector<1024x128xf32>
    %lt3A_316 = arith.cmpf olt, %slice3A_315, %select_n3A_311 : vector<1024x128xf32>
    %select_n3A_317 = arith.select %lt3A_316, %slice3A_315, %select_n3A_311 : vector<1024x128xi1>, vector<1024x128xf32>
    %jit3A_318 = arith.constant 17 : i32
    %broadcast_in_dim3A_319 = vector.broadcast %jit3A_318 : i32 to vector<1024x128xi32>
    %select_n3A_320 = arith.select %lt3A_316, %broadcast_in_dim3A_319, %select_n3A_314 : vector<1024x128xi1>, vector<1024x128xi32>
    %slice3A_321 = vector.extract_strided_slice %slice3A_215 {offsets = [0, 2304], sizes = [1024, 128], strides = [1, 1]} : vector<1024x4096xf32> to vector<1024x128xf32>
    %lt3A_322 = arith.cmpf olt, %slice3A_321, %select_n3A_317 : vector<1024x128xf32>
    %select_n3A_323 = arith.select %lt3A_322, %slice3A_321, %select_n3A_317 : vector<1024x128xi1>, vector<1024x128xf32>
    %jit3A_324 = arith.constant 18 : i32
    %broadcast_in_dim3A_325 = vector.broadcast %jit3A_324 : i32 to vector<1024x128xi32>
    %select_n3A_326 = arith.select %lt3A_322, %broadcast_in_dim3A_325, %select_n3A_320 : vector<1024x128xi1>, vector<1024x128xi32>
    %slice3A_327 = vector.extract_strided_slice %slice3A_215 {offsets = [0, 2432], sizes = [1024, 128], strides = [1, 1]} : vector<1024x4096xf32> to vector<1024x128xf32>
    %lt3A_328 = arith.cmpf olt, %slice3A_327, %select_n3A_323 : vector<1024x128xf32>
    %select_n3A_329 = arith.select %lt3A_328, %slice3A_327, %select_n3A_323 : vector<1024x128xi1>, vector<1024x128xf32>
    %jit3A_330 = arith.constant 19 : i32
    %broadcast_in_dim3A_331 = vector.broadcast %jit3A_330 : i32 to vector<1024x128xi32>
    %select_n3A_332 = arith.select %lt3A_328, %broadcast_in_dim3A_331, %select_n3A_326 : vector<1024x128xi1>, vector<1024x128xi32>
    %slice3A_333 = vector.extract_strided_slice %slice3A_215 {offsets = [0, 2560], sizes = [1024, 128], strides = [1, 1]} : vector<1024x4096xf32> to vector<1024x128xf32>
    %lt3A_334 = arith.cmpf olt, %slice3A_333, %select_n3A_329 : vector<1024x128xf32>
    %select_n3A_335 = arith.select %lt3A_334, %slice3A_333, %select_n3A_329 : vector<1024x128xi1>, vector<1024x128xf32>
    %jit3A_336 = arith.constant 20 : i32
    %broadcast_in_dim3A_337 = vector.broadcast %jit3A_336 : i32 to vector<1024x128xi32>
    %select_n3A_338 = arith.select %lt3A_334, %broadcast_in_dim3A_337, %select_n3A_332 : vector<1024x128xi1>, vector<1024x128xi32>
    %slice3A_339 = vector.extract_strided_slice %slice3A_215 {offsets = [0, 2688], sizes = [1024, 128], strides = [1, 1]} : vector<1024x4096xf32> to vector<1024x128xf32>
    %lt3A_340 = arith.cmpf olt, %slice3A_339, %select_n3A_335 : vector<1024x128xf32>
    %select_n3A_341 = arith.select %lt3A_340, %slice3A_339, %select_n3A_335 : vector<1024x128xi1>, vector<1024x128xf32>
    %jit3A_342 = arith.constant 21 : i32
    %broadcast_in_dim3A_343 = vector.broadcast %jit3A_342 : i32 to vector<1024x128xi32>
    %select_n3A_344 = arith.select %lt3A_340, %broadcast_in_dim3A_343, %select_n3A_338 : vector<1024x128xi1>, vector<1024x128xi32>
    %slice3A_345 = vector.extract_strided_slice %slice3A_215 {offsets = [0, 2816], sizes = [1024, 128], strides = [1, 1]} : vector<1024x4096xf32> to vector<1024x128xf32>
    %lt3A_346 = arith.cmpf olt, %slice3A_345, %select_n3A_341 : vector<1024x128xf32>
    %select_n3A_347 = arith.select %lt3A_346, %slice3A_345, %select_n3A_341 : vector<1024x128xi1>, vector<1024x128xf32>
    %jit3A_348 = arith.constant 22 : i32
    %broadcast_in_dim3A_349 = vector.broadcast %jit3A_348 : i32 to vector<1024x128xi32>
    %select_n3A_350 = arith.select %lt3A_346, %broadcast_in_dim3A_349, %select_n3A_344 : vector<1024x128xi1>, vector<1024x128xi32>
    %slice3A_351 = vector.extract_strided_slice %slice3A_215 {offsets = [0, 2944], sizes = [1024, 128], strides = [1, 1]} : vector<1024x4096xf32> to vector<1024x128xf32>
    %lt3A_352 = arith.cmpf olt, %slice3A_351, %select_n3A_347 : vector<1024x128xf32>
    %select_n3A_353 = arith.select %lt3A_352, %slice3A_351, %select_n3A_347 : vector<1024x128xi1>, vector<1024x128xf32>
    %jit3A_354 = arith.constant 23 : i32
    %broadcast_in_dim3A_355 = vector.broadcast %jit3A_354 : i32 to vector<1024x128xi32>
    %select_n3A_356 = arith.select %lt3A_352, %broadcast_in_dim3A_355, %select_n3A_350 : vector<1024x128xi1>, vector<1024x128xi32>
    %slice3A_357 = vector.extract_strided_slice %slice3A_215 {offsets = [0, 3072], sizes = [1024, 128], strides = [1, 1]} : vector<1024x4096xf32> to vector<1024x128xf32>
    %lt3A_358 = arith.cmpf olt, %slice3A_357, %select_n3A_353 : vector<1024x128xf32>
    %select_n3A_359 = arith.select %lt3A_358, %slice3A_357, %select_n3A_353 : vector<1024x128xi1>, vector<1024x128xf32>
    %jit3A_360 = arith.constant 24 : i32
    %broadcast_in_dim3A_361 = vector.broadcast %jit3A_360 : i32 to vector<1024x128xi32>
    %select_n3A_362 = arith.select %lt3A_358, %broadcast_in_dim3A_361, %select_n3A_356 : vector<1024x128xi1>, vector<1024x128xi32>
    %slice3A_363 = vector.extract_strided_slice %slice3A_215 {offsets = [0, 3200], sizes = [1024, 128], strides = [1, 1]} : vector<1024x4096xf32> to vector<1024x128xf32>
    %lt3A_364 = arith.cmpf olt, %slice3A_363, %select_n3A_359 : vector<1024x128xf32>
    %select_n3A_365 = arith.select %lt3A_364, %slice3A_363, %select_n3A_359 : vector<1024x128xi1>, vector<1024x128xf32>
    %jit3A_366 = arith.constant 25 : i32
    %broadcast_in_dim3A_367 = vector.broadcast %jit3A_366 : i32 to vector<1024x128xi32>
    %select_n3A_368 = arith.select %lt3A_364, %broadcast_in_dim3A_367, %select_n3A_362 : vector<1024x128xi1>, vector<1024x128xi32>
    %slice3A_369 = vector.extract_strided_slice %slice3A_215 {offsets = [0, 3328], sizes = [1024, 128], strides = [1, 1]} : vector<1024x4096xf32> to vector<1024x128xf32>
    %lt3A_370 = arith.cmpf olt, %slice3A_369, %select_n3A_365 : vector<1024x128xf32>
    %select_n3A_371 = arith.select %lt3A_370, %slice3A_369, %select_n3A_365 : vector<1024x128xi1>, vector<1024x128xf32>
    %jit3A_372 = arith.constant 26 : i32
    %broadcast_in_dim3A_373 = vector.broadcast %jit3A_372 : i32 to vector<1024x128xi32>
    %select_n3A_374 = arith.select %lt3A_370, %broadcast_in_dim3A_373, %select_n3A_368 : vector<1024x128xi1>, vector<1024x128xi32>
    %slice3A_375 = vector.extract_strided_slice %slice3A_215 {offsets = [0, 3456], sizes = [1024, 128], strides = [1, 1]} : vector<1024x4096xf32> to vector<1024x128xf32>
    %lt3A_376 = arith.cmpf olt, %slice3A_375, %select_n3A_371 : vector<1024x128xf32>
    %select_n3A_377 = arith.select %lt3A_376, %slice3A_375, %select_n3A_371 : vector<1024x128xi1>, vector<1024x128xf32>
    %jit3A_378 = arith.constant 27 : i32
    %broadcast_in_dim3A_379 = vector.broadcast %jit3A_378 : i32 to vector<1024x128xi32>
    %select_n3A_380 = arith.select %lt3A_376, %broadcast_in_dim3A_379, %select_n3A_374 : vector<1024x128xi1>, vector<1024x128xi32>
    %slice3A_381 = vector.extract_strided_slice %slice3A_215 {offsets = [0, 3584], sizes = [1024, 128], strides = [1, 1]} : vector<1024x4096xf32> to vector<1024x128xf32>
    %lt3A_382 = arith.cmpf olt, %slice3A_381, %select_n3A_377 : vector<1024x128xf32>
    %select_n3A_383 = arith.select %lt3A_382, %slice3A_381, %select_n3A_377 : vector<1024x128xi1>, vector<1024x128xf32>
    %jit3A_384 = arith.constant 28 : i32
    %broadcast_in_dim3A_385 = vector.broadcast %jit3A_384 : i32 to vector<1024x128xi32>
    %select_n3A_386 = arith.select %lt3A_382, %broadcast_in_dim3A_385, %select_n3A_380 : vector<1024x128xi1>, vector<1024x128xi32>
    %slice3A_387 = vector.extract_strided_slice %slice3A_215 {offsets = [0, 3712], sizes = [1024, 128], strides = [1, 1]} : vector<1024x4096xf32> to vector<1024x128xf32>
    %lt3A_388 = arith.cmpf olt, %slice3A_387, %select_n3A_383 : vector<1024x128xf32>
    %select_n3A_389 = arith.select %lt3A_388, %slice3A_387, %select_n3A_383 : vector<1024x128xi1>, vector<1024x128xf32>
    %jit3A_390 = arith.constant 29 : i32
    %broadcast_in_dim3A_391 = vector.broadcast %jit3A_390 : i32 to vector<1024x128xi32>
    %select_n3A_392 = arith.select %lt3A_388, %broadcast_in_dim3A_391, %select_n3A_386 : vector<1024x128xi1>, vector<1024x128xi32>
    %slice3A_393 = vector.extract_strided_slice %slice3A_215 {offsets = [0, 3840], sizes = [1024, 128], strides = [1, 1]} : vector<1024x4096xf32> to vector<1024x128xf32>
    %lt3A_394 = arith.cmpf olt, %slice3A_393, %select_n3A_389 : vector<1024x128xf32>
    %select_n3A_395 = arith.select %lt3A_394, %slice3A_393, %select_n3A_389 : vector<1024x128xi1>, vector<1024x128xf32>
    %jit3A_396 = arith.constant 30 : i32
    %broadcast_in_dim3A_397 = vector.broadcast %jit3A_396 : i32 to vector<1024x128xi32>
    %select_n3A_398 = arith.select %lt3A_394, %broadcast_in_dim3A_397, %select_n3A_392 : vector<1024x128xi1>, vector<1024x128xi32>
    %slice3A_399 = vector.extract_strided_slice %slice3A_215 {offsets = [0, 3968], sizes = [1024, 128], strides = [1, 1]} : vector<1024x4096xf32> to vector<1024x128xf32>
    %lt3A_400 = arith.cmpf olt, %slice3A_399, %select_n3A_395 : vector<1024x128xf32>
    %select_n3A_401 = arith.select %lt3A_400, %slice3A_399, %select_n3A_395 : vector<1024x128xi1>, vector<1024x128xf32>
    %jit3A_402 = arith.constant 31 : i32
    %broadcast_in_dim3A_403 = vector.broadcast %jit3A_402 : i32 to vector<1024x128xi32>
    %select_n3A_404 = arith.select %lt3A_400, %broadcast_in_dim3A_403, %select_n3A_398 : vector<1024x128xi1>, vector<1024x128xi32>
    %iota3A_405 = tpu.iota {dimensions = array<i32: 1>} : vector<1024x128xi32>
    %add3A_406 = arith.constant 4096 : i32
    %add3A_407 = vector.broadcast %add3A_406 : i32 to vector<1024x128xi32>
    %add3A_408 = arith.addi %iota3A_405, %add3A_407 : vector<1024x128xi32>
    %mul3A_409 = arith.constant 128 : i32
    %mul3A_410 = vector.broadcast %mul3A_409 : i32 to vector<1024x128xi32>
    %mul3A_411 = arith.muli %select_n3A_404, %mul3A_410 : vector<1024x128xi32>
    %add3A_412 = arith.addi %mul3A_411, %add3A_408 : vector<1024x128xi32>
    %reduce_min3A_413 = arith.constant dense<0x7F800000> : vector<1024xf32>
    %reduce_min3A_414 = vector.multi_reduction <minimumf>, %select_n3A_401, %reduce_min3A_413 [1] : vector<1024x128xf32> to vector<1024xf32>
    %broadcast_in_dim3A_415 = vector.shape_cast %reduce_min3A_414 : vector<1024xf32> to vector<1024x1xf32>
    %eq3A_416 = vector.broadcast %broadcast_in_dim3A_415 : vector<1024x1xf32> to vector<1024x128xf32>
    %eq3A_417 = arith.cmpf oeq, %select_n3A_401, %eq3A_416 : vector<1024x128xf32>
    %jit3A_418 = arith.constant 1073741824 : i32
    %broadcast_in_dim3A_419 = vector.broadcast %jit3A_418 : i32 to vector<1024x128xi32>
    %select_n3A_420 = arith.select %eq3A_417, %add3A_412, %broadcast_in_dim3A_419 : vector<1024x128xi1>, vector<1024x128xi32>
    %reduce_min3A_421 = arith.constant dense<2147483647> : vector<1024xi32>
    %reduce_min3A_422 = vector.multi_reduction <minsi>, %select_n3A_420, %reduce_min3A_421 [1] : vector<1024x128xi32> to vector<1024xi32>
    %squeeze3A_423 = vector.shape_cast %broadcast_in_dim3A_415 : vector<1024x1xf32> to vector<1024xf32>
    %convert_element_type3A_424 = arith.truncf %squeeze3A : vector<1024xf32> to vector<1024xbf16>
    %convert_element_type3A_425 = arith.extf %convert_element_type3A_424 : vector<1024xbf16> to vector<1024xf32>
    %lt3A_426 = arith.cmpf olt, %squeeze3A_423, %convert_element_type3A_425 : vector<1024xf32>
    %select_n3A_427 = arith.select %lt3A_426, %reduce_min3A_422, %reduce_min3A_214 : vector<1024xi1>, vector<1024xi32>
    %swap3A = arith.constant 0 : index
    %swap3A_428 = vector.load %arg5[%swap3A] : memref<1024xi32, #tpu.memory_space<vmem>>, vector<1024xi32>
    tpu.vector_store %arg5[%swap3A], %select_n3A_427 {strides = array<i32>} : memref<1024xi32, #tpu.memory_space<vmem>>, vector<1024xi32>,
    return
  }
  func.func @transform_0(%arg0: i32) -> (i32, i32) {
    %c0_i32 = arith.constant 0 : i32
    %c0_i32_0 = arith.constant 0 : i32
    return %arg0, %c0_i32 : i32, i32
  }
  func.func @transform_1(%arg0: i32) -> (i32, i32) {
    %c0_i32 = arith.constant 0 : i32
    %c0_i32_0 = arith.constant 0 : i32
    %c0_i32_1 = arith.constant 0 : i32
    return %c0_i32, %c0_i32_0 : i32, i32
  }
  func.func @transform_2(%arg0: i32) -> (i32, i32) {
    %c0_i32 = arith.constant 0 : i32
    %c0_i32_0 = arith.constant 0 : i32
    return %arg0, %c0_i32 : i32, i32
  }
  func.func @transform_3(%arg0: i32) -> (i32, i32) {
    %c0_i32 = arith.constant 0 : i32
    %c0_i32_0 = arith.constant 0 : i32
    %c0_i32_1 = arith.constant 0 : i32
    return %c0_i32, %c0_i32_0 : i32, i32
  }
  func.func @transform_4(%arg0: i32) -> i32 {
    %c0_i32 = arith.constant 0 : i32
    return %arg0 : i32
  }
}

</mosaic_0001>

<sc_bundles>
// kernel: kernel.4.cloned.1.call-start
scs
__scs_entry_jumppad:
0x0: {  	(pc) =	sbr.rel $0x88, $3  }
0x1: {  	(tag) =	ssettag $0x0;
	lr =	simm.s32 $0x1  }
0x2: {  	[smem:$0x3F9F] =	sst lr;
	_ =	strace $0xD0000000  }
0x3: {  	_ = 	snop  }
0x4: {  	_ = 	snop  }
0x5: {  	_ = 	snop  }
0x6: {  	_ = 	snop  }
0x7: {  	_ = 	snop  }
__scs_overlays_trampoline_lowered:
0x8: {  	[smem:$0x3FAE] =	sst s0  }
0x9: {  	[smem:$0x3FAF] =	sst s1  }
0xa: {  	[smem:$0x3FB0] =	sst s2  }
0xb: {  	[smem:$0x3FB1] =	sst s3  }
0xc: {  	[smem:$0x3FB2] =	sst s4  }
0xd: {  	[smem:$0x3FB3] =	sst s5  }
0xe: {  	[smem:$0x3FB4] =	sst s6  }
0xf: {  	[smem:$0x3FB5] =	sst s7  }
0x10: {  	[smem:$0x3FB6] =	sst s8  }
0x11: {  	[smem:$0x3FB7] =	sst s9;
	s0 =	simm.s32 @!p0 $0x0  }
0x12: {  	s1 =	sld [smem:$0x3F9D];
	s0 =	simm.s32 @p0 $0x1  }
0x13: {  	[smem:$0x3FB8] =	sst s0;
	s0 =	simm.s32 @!p1 $0x0  }
0x14: {  	s2 =	sld [smem:$0x3F9C];
	s0 =	simm.s32 @p1 $0x1  }
0x15: {  	[smem:$0x3FB9] =	sst s0;
	s0 =	simm.s32 @!p2 $0x0  }
0x16: {  	s3 =	sld [smem:$0x3FDB];
	s0 =	simm.s32 @p2 $0x1  }
0x17: {  	s4 =	simm.s32 $0x1BF5;
	[smem:$0x3FBB] =	sst s0  }
0x18: {  	s0 =	sld [smem:$0x3F9E];
	_ =	swait.ge [sflag:s4], $0x0  }
0x19: {  	s7 =	sld [smem:$0x3F9F]  }
0x1a: {  	s8 =	sadd.s32 $0xFFFFE003, lr  }
0x1b: {  	s9 =	sadd.s32 $0xFFFFFEF7, lr;
	s5 =	simm.s32 $0xFFFFFFFF;
	p2 =	slt.u32 s8, $0xFFFFF086  }
0x1c: {  	p1 =	slt.u32 s9, $0xF7A;
	s5 =	simm.s32 @!p2 $0x0  }
0x1d: {  	s5 =	simm.s32 @p1 $0x1;
	p0 =	seq.s32 s7, s2  }
0x1e: {  	s7 =	smul.u32 @!p0 $0xF7A, s2;
	p2 =	seq.s32 @!p0 s5, $0x0  }
0x1f: {  	s9 =	smul.u32 $0xF7A, s1;
	s8 =	simm.s32 @!p0 $0x1BF5;
	p2 =	por !p2, p0  }
0x20: {  	[sflag:s8] =	ssyncset.s32 @!p0 $0xFFFFF086;
	s6 =	sadd.s32 @!p0 s3, s7;
	s7 =	simm.s32 @!p0 $0x108  }
0x21: {  	s3 =	sadd.s32 s3, s9;
	s6 =	sadd.s32 @!p0 $0x88, s6;
	s7 =	simm.s32 @p2 $0x1082  }
0x22: {  	[simem:s7], [sflag:s8] =	dma.local @!p0 [hbm:s6], $0xF7A  }
0x23: {  	s9 =	sor.u32 $0xD0000000, s2;
	s6 =	simm.s32 $0x108;
	_ =	swait.ge @!p0 [sflag:s8], $0x0  }
0x24: {  	s3 =	sadd.s32 $0x88, s3;
	s6 =	simm.s32 @!p1 $0x1082;
	[sflag:s4] =	ssyncset.s32 $0xFFFFF086  }
0x25: {  	[simem:s6], [sflag:s4] =	dma.local [hbm:s3], $0xF7A  }
0x26: {  	[smem:$0x3F9F] =	sst s1;
	(tag) =	ssettag s2;
	_ =	strace s9  }
0x27: {  	s1 =	sld [smem:$0x3FAF]  }
0x28: {  	s2 =	sld [smem:$0x3FB0]  }
0x29: {  	s4 =	sld [smem:$0x3FB2]  }
0x2a: {  	p0 =	seq.s32 s5, $0x0;
	s5 =	sld [smem:$0x3FB3]  }
0x2b: {  	s6 =	sld [smem:$0x3FB4]  }
0x2c: {  	s7 =	sld [smem:$0x3FB5]  }
0x2d: {  	s3 =	simm.s32 $0x108;
	s8 =	sld [smem:$0x3FB6]  }
0x2e: {  	s3 =	simm.s32 @!p0 $0x1082;
	s9 =	sld [smem:$0x3FB7]  }
0x2f: {  	lr =	sadd.s32 s0, s3;
	s0 =	sld [smem:$0x3FAE]  }
0x30: {  	s3 =	sld [smem:$0x3FB1]  }
0x31: {  	[smem:$0x3FBA] =	sst s10  }
0x32: {  	s10 =	sld [smem:$0x3FB8];
	_ =	sdelay $0x3  }
0x33: {  	p0 =	seq.s32 s10, $0x1;
	s10 =	sld [smem:$0x3FBA];
	_ =	sdelay $0x3  }
0x34: {  	[smem:$0x3FBA] =	sst s10  }
0x35: {  	s10 =	sld [smem:$0x3FB9];
	_ =	sdelay $0x3  }
0x36: {  	p1 =	seq.s32 s10, $0x1;
	s10 =	sld [smem:$0x3FBA];
	_ =	sdelay $0x3  }
0x37: {  	[smem:$0x3FBA] =	sst s10  }
0x38: {  	s10 =	sld [smem:$0x3FBB]  }
0x39: {  	_ = 	snop;
	(pc) =	sbr.ind lr, $3  }
0x3a: {  	_ = 	snop  }
0x3b: {  	_ = 	snop  }
0x3c: {  	p2 =	seq.s32 s10, $0x1;
	s10 =	sld [smem:$0x3FBA]  }
0x3d: {  	_ =	shalt  }
0x3e: {  	_ =	shalt  }
0x3f: {  	_ =	shalt  }
0x40: {  	_ =	shalt  }
0x41: {  	_ =	shalt  }
0x42: {  	_ =	shalt  }
0x43: {  	_ =	shalt  }
0x44: {  	_ =	shalt  }
0x45: {  	_ =	shalt  }
0x46: {  	_ =	shalt  }
0x47: {  	_ =	shalt  }
0x48: {  	_ =	shalt  }
0x49: {  	_ =	shalt  }
0x4a: {  	_ =	shalt  }
0x4b: {  	_ =	shalt  }
0x4c: {  	_ =	shalt  }
0x4d: {  	_ =	shalt  }
0x4e: {  	_ =	shalt  }
0x4f: {  	_ =	shalt  }
0x50: {  	_ =	shalt  }
0x51: {  	_ =	shalt  }
0x52: {  	_ =	shalt  }
0x53: {  	_ =	shalt  }
0x54: {  	_ =	shalt  }
0x55: {  	_ =	shalt  }
0x56: {  	_ =	shalt  }
0x57: {  	_ =	shalt  }
0x58: {  	_ =	shalt  }
0x59: {  	_ =	shalt  }
0x5a: {  	_ =	shalt  }
0x5b: {  	_ =	shalt  }
0x5c: {  	_ =	shalt  }
0x5d: {  	_ =	shalt  }
0x5e: {  	_ =	shalt  }
0x5f: {  	_ =	shalt  }
0x60: {  	_ =	shalt  }
0x61: {  	_ =	shalt  }
0x62: {  	_ =	shalt  }
0x63: {  	_ =	shalt  }
0x64: {  	_ =	shalt  }
0x65: {  	_ =	shalt  }
0x66: {  	_ =	shalt  }
0x67: {  	_ =	shalt  }
0x68: {  	_ =	shalt  }
0x69: {  	_ =	shalt  }
0x6a: {  	_ =	shalt  }
0x6b: {  	_ =	shalt  }
0x6c: {  	_ =	shalt  }
0x6d: {  	_ =	shalt  }
0x6e: {  	_ =	shalt  }
0x6f: {  	_ =	shalt  }
0x70: {  	_ =	shalt  }
0x71: {  	_ =	shalt  }
0x72: {  	_ =	shalt  }
0x73: {  	_ =	shalt  }
0x74: {  	_ =	shalt  }
0x75: {  	_ =	shalt  }
0x76: {  	_ =	shalt  }
0x77: {  	_ =	shalt  }
0x78: {  	_ =	shalt  }
0x79: {  	_ =	shalt  }
0x7a: {  	_ =	shalt  }
0x7b: {  	_ =	shalt  }
0x7c: {  	_ =	shalt  }
0x7d: {  	_ =	shalt  }
0x7e: {  	_ =	shalt  }
0x7f: {  	_ =	shalt  }
0x80: {  	_ =	shalt  }
0x81: {  	_ =	shalt  }
0x82: {  	_ =	shalt  }
0x83: {  	_ =	shalt  }
0x84: {  	_ =	shalt  }
0x85: {  	_ =	shalt  }
0x86: {  	_ =	shalt  }
0x87: {  	_ =	shalt  }
.Lfunc_end0:
.L_simem_size_0:
called_computation_lowered:
.L_overlay_start_0:
0x88: {  	s2 =	sld [smem:$0x3FD9]  }
0x89: {  	s3 =	sld [smem:$0x3FFE];
	_ =	sdelay $0x1  }
0x8a: {  	s1 =	srdreg.scid  }
0x8b: {  	s0 =	sand.u32 $0x1, s1  }
0x8c: {  	s14 =	sshll.u32 s0, $0xA;
	s2 =	sadd.s32 s3, s2  }
0x8d: {  	s2 =	sadd.s32 s2, s14  }
0x8e: {  	[smem:$0x3FC6] =	sst s2  }
0x8f: {  	_ = 	snop  }
0x90: {  	s2 =	sld [smem:$0x3FD0];
	_ =	sdelay $0x2  }
0x91: {  	s15 =	simm.s32 $0xA;
	s4 =	simm.s32 $0x10  }
0x92: {  	[smem:s4], [sflag:s15] =	dma.local [hbm:s2], $0x1  }
0x93: {  	_ =	swait.eq [sflag:s15], $0x1  }
0x94: {  	[sflag:s15] =	ssyncset.done $0x0  }
0x95: {  	s16 =	sld [smem:$0x10];
	[sflag:s15] =	ssyncadd.s32 $0xFFFFFFFF  }
0x96: {  	s17 =	sld [smem:$0x11];
	(tm) =	ssettm $0x1  }
0x97: {  	s18 =	sld [smem:$0x3FFB];
	_ =	sdelay $0x3  }
0x98: {  	_ =	strace s18  }
0x99: {  	s4 =	sld [smem:$0x3FFC];
	_ =	sdelay $0x3  }
0x9a: {  	_ =	strace s4  }
0x9b: {  	s4 =	sld [smem:$0x3FFD];
	_ =	sdelay $0x3  }
0x9c: {  	_ =	strace s4  }
0x9d: {  	_ =	strace $0x8FFFFFFF  }
0x9e: {  	s19 =	sld [smem:$0x3FDB];
	_ =	sdelay $0x1  }
0x9f: {  	s5 =	simm.s32 $_scs_section_size  }
0xa0: {  	s6 =	simm.s32 $_size__tile_overlayer_lowered;
	s7 =	simm.s32 $_tile_overlayer_lowered  }
0xa1: {  	s22 =	simm.s32 $0x1BFF;
	s21 =	sshll.u32 s7, $0x1;
	s4 =	sadd.s32 s5, s19  }
0xa2: {  	s8 =	simm.s32 $0x0;
	s20 =	sshll.u32 s6, $0x1;
	s6 =	sadd.s32 s21, s4  }
0xa3: {  	[timem:s8], [sflag:s22] =	dma.local [hbm:s6], s20  }
0xa4: {  	_ =	swait.ge [sflag:s22], s20  }
0xa5: {  	s5 =	ssub.s32 $0x0, s20;
	[sflag:s22] =	ssyncset.done $0x0  }
0xa6: {  	[sflag:s22] =	ssyncadd.s32 s5;
	_ =	sdelay $0x1  }
0xa7: {  	s23 =	simm.s32 $0x1B8B  }
0xa8: {  	_ =	swait.ge [sflag:s23], $0x1  }
0xa9: {  	[sflag:s23] =	ssyncset.done $0x0  }
0xaa: {  	s25 =	simm.s32 $0x1B8E;
	s24 =	sld [smem:$0x3FFE];
	[sflag:s23] =	ssyncadd.s32 $0xFFFFFFFF  }
0xab: {  	s26 =	simm.s32 $execute0_lowered;
	[smem:$0x3FD2] =	sst s25  }
0xac: {  	s6 =	sshll.u32 s26, $0x1;
	_ =	strace $0x80000046;
	[dreg:$0x1] =	wrdreg $0xFFFFFFFF  }
0xad: {  	s28 =	simm.s32 $_size_execute0_lowered;
	s4 =	sadd.s32 s4, s6;
	[dreg:$0x0] =	wrdreg $0x0  }
0xae: {  	s6 =	sshll.u32 s28, $0x1;
	[dreg:$0x2] =	wrdreg s4  }
0xaf: {  	[dreg:$0x3] =	wrdreg s6  }
0xb0: {  	[dreg:$0x4] =	wrdreg $0xC0  }
0xb1: {  	_ =	task [dreg:s8], $0x5FFFF  }
0xb2: {  	[dreg:$0x1] =	wrdreg $0xFFFFFFFF  }
0xb3: {  	[dreg:$0x0] =	wrdreg $0x60  }
0xb4: {  	[dreg:$0x2] =	wrdreg s24  }
0xb5: {  	[dreg:$0x3] =	wrdreg s17  }
0xb6: {  	[dreg:$0x4] =	wrdreg s16  }
0xb7: {  	[dreg:$0x5] =	wrdreg $0x9  }
0xb8: {  	_ =	task.clear_ibuf [dreg:s8], $0x6FFFF;
	_ =	strace $0x90000046  }
0xb9: {  	s29 =	simm.s32 $0x9;
	_ =	strace $0x80000048  }
0xba: {  	_ =	swait.ge [sflag:s29], $0x1  }
0xbb: {  	[sflag:s29] =	ssyncadd.s32 $0xFFFFFFFF  }
0xbc: {  	_ =	strace $0x90000048  }
0xbd: {  	_ =	sfence  }
0xbe: {  	s30 =	sld [smem:$0x0];
	_ =	sdelay $0x2  }
0xbf: {  	s31 =	sshll.u32 s1, $0xD;
	s1 =	sshrl.u32 s1, $0x2  }
0xc0: {  	s3 =	sand.u32 $0x4000, s31;
	s1 =	sadd.s32 s1, s30  }
0xc1: {  	s0 =	sor.u32 s3, s0;
	s1 =	sshll.u32 s1, $0x11  }
0xc2: {  	s0 =	sor.u32 s1, s0  }
0xc3: {  	s0 =	sadd.s32 $0x8F2B, s0  }
0xc4: {  	[sflag:s0] =	ssyncadd.remote.s32 $0x1  }
0xc5: {  	_ =	sfence.sel $0xFFFF  }
0xc6: {  	[dreg:$0x0] =	wrdreg $0xFFFFFFFF;
	(pc) =	sbr.abs _section_cstart, $3  }
0xc7: {  	[dreg:$0x1] =	wrdreg $0xFFFFFFFF  }
0xc8: {  	_ =	task.clear_ibuf [dreg:s8], $0x2FFFF;
	_ =	strace $0x9FFFFFFF  }
0xc9: {  	(tm) =	ssettm $0x7FFFFFFF  }
tec
execute0_lowered:
.L_overlay_start_1:
0x0: {  	(tag) =	ssettag $0x1  }
0x1: {  	s4 =	rddreg [dreg:$0x0]  }
0x2: {  	s5 =	rddreg [dreg:$0x1]  }
0x3: {  	s7 =	rddreg [dreg:$0x2]  }
0x4: {  	s0 =	rddreg [dreg:$0x3]  }
0x5: {  	s2 =	simm.s32 $0x0;
	s3 =	srdreg.scid;
	s1 =	stileid.u32  }
0x6: {  	s12 =	simm.s32 $0xC200;
	s13 =	simm.s32 $0x4200;
	s14 =	simm.s32 $0x1  }
0x7: {  	s15 =	simm.s32 $0x100;
	s16 =	simm.s32 $0x2;
	s17 =	simm.s32 $0x180  }
0x8: {  	s18 =	simm.s32 $0x8200;
	s19 =	simm.s32 $0x10200;
	s20 =	simm.s32 $0x0  }
0x9: {  	[smem:$0x7FF] =	sst s2;
	s6 =	sand.u32 $0x1, s3;
	s8 =	sshll.u32 s1, $0x1  }
0xa: {  	s3 =	sadd.s32 $0xC00, s4;
	_ =	strace $0x80000047;
	s8 =	sor.u32 s6, s8  }
0xb: {  	s6 =	ssub.s32 $0x2, s6;
	s9 =	sshll.u32 s8, $0x6;
	s8 =	sshll.u32 s8, $0xB  }
0xc: {  	s31 =	sshrl.u32 s6, $0x1;
	s9 =	sadd.s32 s9, s4;
	s10 =	sadd.s32 s8, s4  }
0xd: {  	s11 =	ssub.s32 s6, s31;
	s5 =	sadd.s32 s5, s8;
	s7 =	sadd.s32 s7, s8  }
0xe: {  	s4 =	sadd.s32 $0x20C00, s9;
	s6 =	sadd.s32 $0x21400, s10;
	s8 =	smax.u32 s11, $0x1  }
0xf: {  	s9 =	simm.s32 $0x3;
	s10 =	simm.s32 $0x80;
	s11 =	simm.s32 $0x200  }
.LBB2_1:
0x10: {  	[tilespmem:s2], [sflag:$0x3] =	stream.linear.gather [hbm4b:s4+s2], $0x200, $0x38;
	[tilespmem:$0x14200] =	vst v63  }
0x11: {  	_ =	swait.ge [sflag:s9], $0x200  }
0x12: {  	[sflag:s9] =	ssyncset.done $0x0  }
0x13: {  	[sflag:s9] =	ssyncadd.s32 $0xFFFFFE00  }
0x14: {  	[tilespmem:s11], [sflag:$0x1] =	stream.indirect.gather [hbm4b:s3+s10], $0x80, s2, s10, $0xb8;
	[tilespmem:$0x14200] =	vst v63  }
0x15: {  	_ = 	snop  }
0x16: {  	[tilespmem:s12], [sflag:$0x3] =	stream.linear.gather [hbm4b:s5+s2], $0x4000, $0x38;
	[tilespmem:$0x14200] =	vst v63  }
0x17: {  	_ =	swait.ge [sflag:s9], $0x4000  }
0x18: {  	[sflag:s9] =	ssyncset.done $0x0  }
0x19: {  	[sflag:s9] =	ssyncadd.s32 $0xFFFFC000  }
0x1a: {  	[tilespmem:s13], [sflag:$0x2] =	stream.indirect.gather [hbm4b:s3+s10], $0x80, s10, s10, $0xb8;
	[tilespmem:$0x14200] =	vst v63  }
0x1b: {  	_ =	swait.ge [sflag:s14], $0x4000  }
0x1c: {  	[sflag:s14] =	ssyncset.done $0x0  }
0x1d: {  	s21 =	simm.s32 $0x0;
	[sflag:s14] =	ssyncadd.s32 $0xFFFFC000  }
0x1e: {  	s22 =	simm.s32 $0x210;
	s23 =	simm.s32 $0x80;
	v0 =	vld [tilespmem:s21+$0xC200]  }
.LBB2_2:
0x1f: {  	p0 =	sne.s32 s23, $0x3F80;
	v1 =	vld [tilespmem:s22+$0xFFFFFFF0];
	_ =	sdelay $0x4  }
0x20: {  	[tilespmem:s21+$0x8200] =	vst v1;
	v1 =	vsub.f32 v1, v0;
	_ =	sdelay $0x1  }
0x21: {  	v0 =	vadd.f32 v1, v0;
	_ =	sdelay $0x1  }
0x22: {  	[tilespmem:s21+$0x10200] =	vst v0;
	v0 =	vld [tilespmem:s21+$0xC210]  }
0x23: {  	v1 =	vld [tilespmem:s22+$0x0];
	_ =	sdelay $0x4  }
.Ltmp0:
0x24: {  	[tilespmem:s21+$0x8210] =	vst v1;
	v1 =	vsub.f32 v1, v0;
	(pc) =	sbr.rel @p0 .LBB2_2-.Ltmp0, $4  }
0x25: {  	_ = 	snop  }
0x26: {  	v1 =	vadd.f32 v1, v0  }
0x27: {  	s24 =	sshra.s32 s23, $0x2  }
0x28: {  	s23 =	sadd.s32 $0x80, s23;
	s22 =	sadd.s32 $0x80, s22;
	v0 =	vld [tilespmem:s24+$0xC200];
	[tilespmem:s21+$0x10210] =	vst v1;
	s21 =	smov.u32 s24  }
0x29: {  	v1 =	vld [tilespmem:s22+$0xFFFFFFF0];
	_ =	sdelay $0x4  }
0x2a: {  	v2 =	vsub.f32 v1, v0;
	_ =	sdelay $0x1  }
0x2b: {  	v0 =	vadd.f32 v2, v0  }
0x2c: {  	[tilespmem:s21+$0x8200] =	vst v1  }
0x2d: {  	[tilespmem:s21+$0x10200] =	vst v0;
	v0 =	vld [tilespmem:s21+$0xC210]  }
0x2e: {  	v1 =	vld [tilespmem:s22+$0x0];
	_ =	sdelay $0x4  }
0x2f: {  	v2 =	vsub.f32 v1, v0;
	_ =	sdelay $0x1  }
0x30: {  	v0 =	vadd.f32 v2, v0  }
0x31: {  	[tilespmem:s21+$0x8210] =	vst v1  }
0x32: {  	[tilespmem:s21+$0x10210] =	vst v0  }
0x33: {  	[tilespmem:s11], [sflag:$0x1] =	stream.indirect.gather [hbm4b:s3+s10], $0x80, s15, s10, $0xb8;
	[tilespmem:$0x14200] =	vst v63  }
0x34: {  	_ =	swait.ge [sflag:s16], $0x4000  }
0x35: {  	[sflag:s16] =	ssyncset.done $0x0  }
0x36: {  	s21 =	simm.s32 $0x0;
	[sflag:s16] =	ssyncadd.s32 $0xFFFFC000  }
0x37: {  	s23 =	simm.s32 $0x80;
	s22 =	simm.s32 $0x4210;
	v0 =	vld [tilespmem:s21+$0xD200]  }
.LBB2_4:
0x38: {  	p0 =	sne.s32 s23, $0x3F80;
	v1 =	vld [tilespmem:s22+$0xFFFFFFF0];
	_ =	sdelay $0x4  }
0x39: {  	[tilespmem:s21+$0x9200] =	vst v1;
	v1 =	vsub.f32 v1, v0;
	_ =	sdelay $0x1  }
0x3a: {  	v0 =	vadd.f32 v1, v0;
	_ =	sdelay $0x1  }
0x3b: {  	[tilespmem:s21+$0x11200] =	vst v0;
	v0 =	vld [tilespmem:s21+$0xD210]  }
0x3c: {  	v1 =	vld [tilespmem:s22+$0x0];
	_ =	sdelay $0x4  }
.Ltmp1:
0x3d: {  	[tilespmem:s21+$0x9210] =	vst v1;
	v1 =	vsub.f32 v1, v0;
	(pc) =	sbr.rel @p0 .LBB2_4-.Ltmp1, $4  }
0x3e: {  	_ = 	snop  }
0x3f: {  	v1 =	vadd.f32 v1, v0  }
0x40: {  	s24 =	sshra.s32 s23, $0x2  }
0x41: {  	s23 =	sadd.s32 $0x80, s23;
	s22 =	sadd.s32 $0x80, s22;
	v0 =	vld [tilespmem:s24+$0xD200];
	[tilespmem:s21+$0x11210] =	vst v1;
	s21 =	smov.u32 s24  }
0x42: {  	v1 =	vld [tilespmem:s22+$0xFFFFFFF0];
	_ =	sdelay $0x4  }
0x43: {  	v2 =	vsub.f32 v1, v0;
	_ =	sdelay $0x1  }
0x44: {  	v0 =	vadd.f32 v2, v0  }
0x45: {  	[tilespmem:s21+$0x9200] =	vst v1  }
0x46: {  	[tilespmem:s21+$0x11200] =	vst v0;
	v0 =	vld [tilespmem:s21+$0xD210]  }
0x47: {  	v1 =	vld [tilespmem:s22+$0x0];
	_ =	sdelay $0x4  }
0x48: {  	v2 =	vsub.f32 v1, v0;
	_ =	sdelay $0x1  }
0x49: {  	v0 =	vadd.f32 v2, v0  }
0x4a: {  	[tilespmem:s21+$0x9210] =	vst v1  }
0x4b: {  	[tilespmem:s21+$0x11210] =	vst v0  }
0x4c: {  	[tilespmem:s13], [sflag:$0x2] =	stream.indirect.gather [hbm4b:s3+s10], $0x80, s17, s10, $0xb8;
	[tilespmem:$0x14200] =	vst v63  }
0x4d: {  	_ =	swait.ge [sflag:s14], $0x4000  }
0x4e: {  	[sflag:s14] =	ssyncset.done $0x0  }
0x4f: {  	s21 =	simm.s32 $0x0;
	[sflag:s14] =	ssyncadd.s32 $0xFFFFC000  }
0x50: {  	s23 =	simm.s32 $0x80;
	s22 =	simm.s32 $0x210;
	v0 =	vld [tilespmem:s21+$0xE200]  }
.LBB2_6:
0x51: {  	p0 =	sne.s32 s23, $0x3F80;
	v1 =	vld [tilespmem:s22+$0xFFFFFFF0];
	_ =	sdelay $0x4  }
0x52: {  	[tilespmem:s21+$0xA200] =	vst v1;
	v1 =	vsub.f32 v1, v0;
	_ =	sdelay $0x1  }
0x53: {  	v0 =	vadd.f32 v1, v0;
	_ =	sdelay $0x1  }
0x54: {  	[tilespmem:s21+$0x12200] =	vst v0;
	v0 =	vld [tilespmem:s21+$0xE210]  }
0x55: {  	v1 =	vld [tilespmem:s22+$0x0];
	_ =	sdelay $0x4  }
.Ltmp2:
0x56: {  	[tilespmem:s21+$0xA210] =	vst v1;
	v1 =	vsub.f32 v1, v0;
	(pc) =	sbr.rel @p0 .LBB2_6-.Ltmp2, $4  }
0x57: {  	_ = 	snop  }
0x58: {  	v1 =	vadd.f32 v1, v0  }
0x59: {  	s24 =	sshra.s32 s23, $0x2  }
0x5a: {  	s23 =	sadd.s32 $0x80, s23;
	s22 =	sadd.s32 $0x80, s22;
	v0 =	vld [tilespmem:s24+$0xE200];
	[tilespmem:s21+$0x12210] =	vst v1;
	s21 =	smov.u32 s24  }
0x5b: {  	v1 =	vld [tilespmem:s22+$0xFFFFFFF0];
	_ =	sdelay $0x4  }
0x5c: {  	v2 =	vsub.f32 v1, v0;
	_ =	sdelay $0x1  }
0x5d: {  	v0 =	vadd.f32 v2, v0  }
0x5e: {  	[tilespmem:s21+$0xA200] =	vst v1  }
0x5f: {  	[tilespmem:s21+$0x12200] =	vst v0;
	v0 =	vld [tilespmem:s21+$0xE210]  }
0x60: {  	v1 =	vld [tilespmem:s22+$0x0];
	_ =	sdelay $0x4  }
0x61: {  	v2 =	vsub.f32 v1, v0;
	_ =	sdelay $0x1  }
0x62: {  	v0 =	vadd.f32 v2, v0  }
0x63: {  	[tilespmem:s21+$0xA210] =	vst v1  }
0x64: {  	[tilespmem:s21+$0x12210] =	vst v0  }
0x65: {  	_ =	swait.ge [sflag:s16], $0x4000  }
0x66: {  	[sflag:s16] =	ssyncset.done $0x0  }
0x67: {  	s21 =	simm.s32 $0x0;
	[sflag:s16] =	ssyncadd.s32 $0xFFFFC000  }
0x68: {  	s23 =	simm.s32 $0x80;
	s22 =	simm.s32 $0x4210;
	v0 =	vld [tilespmem:s21+$0xF200]  }
.LBB2_8:
0x69: {  	p0 =	sne.s32 s23, $0x3F80;
	v1 =	vld [tilespmem:s22+$0xFFFFFFF0];
	_ =	sdelay $0x4  }
0x6a: {  	[tilespmem:s21+$0xB200] =	vst v1;
	v1 =	vsub.f32 v1, v0;
	_ =	sdelay $0x1  }
0x6b: {  	v0 =	vadd.f32 v1, v0;
	_ =	sdelay $0x1  }
0x6c: {  	[tilespmem:s21+$0x13200] =	vst v0;
	v0 =	vld [tilespmem:s21+$0xF210]  }
0x6d: {  	v1 =	vld [tilespmem:s22+$0x0];
	_ =	sdelay $0x4  }
.Ltmp3:
0x6e: {  	[tilespmem:s21+$0xB210] =	vst v1;
	v1 =	vsub.f32 v1, v0;
	(pc) =	sbr.rel @p0 .LBB2_8-.Ltmp3, $4  }
0x6f: {  	_ = 	snop  }
0x70: {  	v1 =	vadd.f32 v1, v0  }
0x71: {  	s24 =	sshra.s32 s23, $0x2  }
0x72: {  	s23 =	sadd.s32 $0x80, s23;
	s22 =	sadd.s32 $0x80, s22;
	v0 =	vld [tilespmem:s24+$0xF200];
	[tilespmem:s21+$0x13210] =	vst v1;
	s21 =	smov.u32 s24  }
0x73: {  	v1 =	vld [tilespmem:s22+$0xFFFFFFF0];
	_ =	sdelay $0x4  }
0x74: {  	v2 =	vsub.f32 v1, v0;
	_ =	sdelay $0x1  }
0x75: {  	v0 =	vadd.f32 v2, v0  }
0x76: {  	[tilespmem:s21+$0xB200] =	vst v1  }
0x77: {  	v62 =	vld [tilespmem:s21+$0xF210];
	[tilespmem:s21+$0x13200] =	vst v0  }
0x78: {  	v1 =	vld [tilespmem:s22+$0x0];
	_ =	sdelay $0x4  }
0x79: {  	v63 =	vsub.f32 v1, v62;
	_ =	sdelay $0x1  }
0x7a: {  	v0 =	vadd.f32 v63, v62  }
0x7b: {  	[tilespmem:s21+$0xB210] =	vst v1  }
0x7c: {  	[tilespmem:s21+$0x13210] =	vst v0  }
0x7d: {  	[hbm4b:s6+s2] =	stream.linear.scatter [tilespmem:s18], [sflag:$0x3], $0x4000, $0x38;
	[tilespmem:$0x14200] =	vst v63  }
0x7e: {  	s20 =	sadd.s32 $0x1, s20;
	_ =	swait.ge [sflag:s9], $0x4000  }
0x7f: {  	p0 =	sne.s32 s20, s8;
	[sflag:s9] =	ssyncset.done $0x0  }
.Ltmp4:
0x80: {  	[sflag:s9] =	ssyncadd.s32 $0xFFFFC000;
	(pc) =	sbr.rel @p0 .LBB2_1-.Ltmp4, $4  }
0x81: {  	[hbm4b:s7+s2] =	stream.linear.scatter [tilespmem:s19], [sflag:$0x3], $0x4000, $0x38;
	[tilespmem:$0x14200] =	vst v63  }
0x82: {  	_ =	swait.ge [sflag:s9], $0x4000  }
0x83: {  	[sflag:s9] =	ssyncset.done $0x0  }
0x84: {  	[sflag:s9] =	ssyncadd.s32 $0xFFFFC000  }
0x85: {  	_ =	sfence.sel $0x180000  }
0x86: {  	[bflag:$0x0] =	sbarrier.arrive $0xFFFF  }
0x87: {  	p0 =	sne.s32 s1, $0x0;
	_ =	strace $0x90000047  }
0x88: {  	s0 =	sadd.s32 @!p0 $0x100000, s0;
	[bflag:$0x2] =	sbarrier.arrive $0xFFFF  }
0x89: {  	[sflag:s0] =	ssyncadd.tile.s32 @!p0 $0x1;
	_ =	shalt  }
.Lfunc_end2:
_tile_overlayer_lowered:
.L_overlay_start_2:
0x8a: {  	(tag) =	ssettag $0x2  }
0x8b: {  	s0 =	rddreg [dreg:$0x0];
	s2 =	stileid.u32  }
0x8c: {  	s1 =	rddreg [dreg:$0x1];
	p0 =	sne.s32 s2, $0x0  }
0x8d: {  	s3 =	rddreg [dreg:$0x2];
	[bflag:$0x3] =	sbarrier.arrive $0xFFFF;
	s2 =	simm.s32 @!p0 $0x1C03  }
0x8e: {  	[timem:s3], [sflag:s2] =	dma.local @!p0 [hbm:s0], s1  }
0x8f: {  	s0 =	simm.s32 @!p0 $0x3  }
0x90: {  	_ =	swait.ge @!p0 [sflag:s0], s1  }
0x91: {  	s1 =	ssub.s32 @!p0 $0x0, s1;
	[sflag:s0] =	ssyncset.done @!p0 $0x0  }
0x92: {  	[sflag:s0] =	ssyncadd.s32 @!p0 s1  }
0x93: {  	[bflag:$0x3] =	sbarrier.arrive $0xFFFF  }
0x94: {  	_ =	shalt  }

</sc_bundles>
